<compile_context>
chip_gen: v7x
topology: tpu7x:2x2x1
jax: 0.10.2.dev20260603
libtpu: 0.0.44.dev20260713+nightly
codegen_flags: <defaults>
</compile_context>

<pallas_src>
import functools

import jax
import jax.numpy as jnp
from jax import lax
from jax.experimental import pallas as pl
from jax.experimental.pallas import tpu as pltpu
from jax.experimental.pallas import tpu_sc as plsc

_VOCAB = 100000
_BATCH = 16384
_SEQ = 200

_INFO = plsc.get_sparse_core_info()
_NC, _NS, _L = _INFO.num_cores, _INFO.num_subcores, _INFO.num_lanes
_NW = _NC * _NS
_COLS_W = _BATCH // _NW
_ROWS_C = 8
_NCHUNK = _SEQ // _ROWS_C


def _vocab_body(
    tok_hbm, table_hbm, out_hbm,
    table_v, idx_v0, idx_v1, out_v0, out_v1,
    sem_t, sem_i0, sem_i1, sem_o0, sem_o1,
):
    idxs, outs = (idx_v0, idx_v1), (out_v0, out_v1)
    sem_i, sem_o = (sem_i0, sem_i1), (sem_o0, sem_o1)
    wid = lax.axis_index("s") * _NC + lax.axis_index("c")
    col0 = wid * _COLS_W

    def tok_slice(c):
        return tok_hbm.at[pl.ds(c * _ROWS_C, _ROWS_C), pl.ds(col0, _COLS_W)]

    def out_slice(c):
        return out_hbm.at[pl.ds(c * _ROWS_C, _ROWS_C), pl.ds(col0, _COLS_W)]

    def gather_chunk(b):
        @plsc.parallel_loop(0, _ROWS_C, step=1, unroll=4)
        def _rows(r):
            for off in range(0, _COLS_W, _L):
                idx = idxs[b][r, pl.ds(off, _L)]
                outs[b][r, pl.ds(off, _L)] = plsc.load_gather(table_v, [idx])

    pltpu.async_copy(tok_slice(0), idxs[0], sem_i[0])
    pltpu.async_copy(tok_slice(1), idxs[1], sem_i[1])
    pltpu.async_copy(table_hbm, table_v, sem_t).wait()

    def pair_body(p, carry):
        for b in (0, 1):
            c = 2 * p + b
            pltpu.make_async_copy(tok_slice(c), idxs[b], sem_i[b]).wait()

            @pl.when(p >= 1)
            def _wait_out():
                pltpu.make_async_copy(outs[b], out_slice(c - 2), sem_o[b]).wait()

            gather_chunk(b)
            pltpu.async_copy(outs[b], out_slice(c), sem_o[b])

            if b == 0:
                pltpu.async_copy(tok_slice(c + 2), idxs[b], sem_i[b])
            else:
                @pl.when(p <= (_NCHUNK - 4) // 2)
                def _next_in():
                    pltpu.async_copy(tok_slice(c + 2), idxs[b], sem_i[b])

        return carry

    lax.fori_loop(0, (_NCHUNK - 1) // 2, pair_body, 0)

    c_last = _NCHUNK - 1
    pltpu.make_async_copy(tok_slice(c_last), idxs[0], sem_i[0]).wait()
    pltpu.make_async_copy(outs[0], out_slice(c_last - 2), sem_o[0]).wait()
    gather_chunk(0)
    pltpu.async_copy(outs[0], out_slice(c_last), sem_o[0])

    pltpu.make_async_copy(outs[1], out_slice(c_last - 1), sem_o[1]).wait()
    pltpu.make_async_copy(outs[0], out_slice(c_last), sem_o[0]).wait()


@jax.jit
def _lookup(tok_t, vocab_table):
    mesh = plsc.VectorSubcoreMesh(core_axis_name="c", subcore_axis_name="s")
    run = pl.kernel(
        _vocab_body,
        mesh=mesh,
        out_type=jax.ShapeDtypeStruct((_SEQ, _BATCH), jnp.float32),
        scratch_types=[
            pltpu.VMEM((_VOCAB,), jnp.float32),
            pltpu.VMEM((_ROWS_C, _COLS_W), jnp.int32),
            pltpu.VMEM((_ROWS_C, _COLS_W), jnp.int32),
            pltpu.VMEM((_ROWS_C, _COLS_W), jnp.float32),
            pltpu.VMEM((_ROWS_C, _COLS_W), jnp.float32),
            pltpu.SemaphoreType.DMA,
            pltpu.SemaphoreType.DMA,
            pltpu.SemaphoreType.DMA,
            pltpu.SemaphoreType.DMA,
            pltpu.SemaphoreType.DMA,
        ],
        compiler_params=pltpu.CompilerParams(needs_layout_passes=False),
    )
    return run(tok_t, vocab_table)


def kernel(tokens_list, vocab_table):
    return _lookup(tokens_list.T, vocab_table).T

# --- scband reference (transcript-rebuilt; emitter-appended) ---
"""Pipeline reference for scband-py-text-vocab-transform-53403623359147 (READ-ONLY COPY).

The authoritative reference and input builder live on the scoring server;
editing this copy changes nothing except your own understanding.
"""

import jax, jax.numpy as jnp
import numpy as np

VOCAB = 100000
BATCH = 16384
SEQ = 200


def setup_inputs(seed: int = 0) -> dict:
    key = jax.random.key(seed)
    k_tok, k_tbl = jax.random.split(key)
    # tokens_list: batch of token-index sequences (numeric proxy for List[List[str]])
    tokens_list = jax.random.randint(k_tok, (BATCH, SEQ), 0, VOCAB, dtype=jnp.int32)
    # vocab lookup table: maps raw token index -> vocab id (float proxy so gradients
    # can flow in the fwdbwd variant; forward math is a pure row gather, identical
    # to vocab.lookup_all on each token)
    vocab_table = jax.random.normal(k_tbl, (VOCAB,), dtype=jnp.float32)
    return {"tokens_list": tokens_list, "vocab_table": vocab_table}


def reference(tokens_list, vocab_table):
    # ids = self.vocab.lookup_all(tokens_list)
    # Each token is independently looked up in the vocab -> elementwise gather.
    ids = jnp.take(vocab_table, tokens_list, axis=0)
    return ids

if __name__ == "__main__":
    import jax
    _d = setup_inputs()
    print(jax.jit(kernel)(*tuple(_d.values())))

</pallas_src>

<mosaic_0001>
#map = affine_map<(d0, d1) -> (0, 0)>
#map1 = affine_map<(d0, d1) -> (0)>
module attributes {stable_mosaic.version = 14 : i64} {
  func.func @_vocab_body(%arg0: i32, %arg1: i32, %arg2: memref<200x16384xi32, #tpu.memory_space<hbm>>, %arg3: memref<100000xf32, #tpu.memory_space<hbm>>, %arg4: memref<200x16384xf32, #tpu.memory_space<hbm>>, %arg5: memref<100000xf32, #tpu.memory_space<vmem>>, %arg6: memref<8x512xi32, #tpu.memory_space<vmem>>, %arg7: memref<8x512xi32, #tpu.memory_space<vmem>>, %arg8: memref<8x512xf32, #tpu.memory_space<vmem>>, %arg9: memref<8x512xf32, #tpu.memory_space<vmem>>, %arg10: memref<!tpu.dma_semaphore, #tpu.memory_space<semaphore_mem>>, %arg11: memref<!tpu.dma_semaphore, #tpu.memory_space<semaphore_mem>>, %arg12: memref<!tpu.dma_semaphore, #tpu.memory_space<semaphore_mem>>, %arg13: memref<!tpu.dma_semaphore, #tpu.memory_space<semaphore_mem>>, %arg14: memref<!tpu.dma_semaphore, #tpu.memory_space<semaphore_mem>>) attributes {dimension_semantics = [#tpu.dimension_semantics<core_parallel>, #tpu.dimension_semantics<subcore_parallel>], iteration_bounds = array<i64: 2, 16>, scalar_prefetch = 0 : i64, scratch_operands = 10 : i64, tpu.core_type = #tpu.core_type<sc_vector_subcore>, window_params = [{transform_indices = #map}, {transform_indices = #map1}, {transform_indices = #map}]} {
    %mul3A = arith.constant 2 : i32
    %mul3A_0 = arith.muli %arg1, %mul3A : i32
    %add3A = arith.addi %mul3A_0, %arg0 : i32
    %mul3A_1 = arith.constant 512 : i32
    %mul3A_2 = arith.muli %add3A, %mul3A_1 : i32
    %dma_start3A = arith.constant 0 : i32
    %dma_start3A_3 = tpu.memref_slice %arg2[%dma_start3A, %mul3A_2] : memref<200x16384xi32, #tpu.memory_space<hbm>> -> memref<8x512xi32, #tpu.memory_space<hbm>>
    %dma_start3A_4 = arith.constant 0 : i32
    %dma_start3A_5 = tpu.memref_slice %arg2[%dma_start3A_4, %mul3A_2] : memref<200x16384xi32, #tpu.memory_space<hbm>> -> memref<8x512xi32, #tpu.memory_space<hbm>>
    tpu.enqueue_dma source(%dma_start3A_5 : memref<8x512xi32, #tpu.memory_space<hbm>>) target(%arg6 : memref<8x512xi32, #tpu.memory_space<vmem>>) target_semaphore(%arg11 : memref<!tpu.dma_semaphore, #tpu.memory_space<semaphore_mem>>)
    %dma_start3A_6 = arith.constant 8 : i32
    %dma_start3A_7 = tpu.memref_slice %arg2[%dma_start3A_6, %mul3A_2] : memref<200x16384xi32, #tpu.memory_space<hbm>> -> memref<8x512xi32, #tpu.memory_space<hbm>>
    %dma_start3A_8 = arith.constant 8 : i32
    %dma_start3A_9 = tpu.memref_slice %arg2[%dma_start3A_8, %mul3A_2] : memref<200x16384xi32, #tpu.memory_space<hbm>> -> memref<8x512xi32, #tpu.memory_space<hbm>>
    tpu.enqueue_dma source(%dma_start3A_9 : memref<8x512xi32, #tpu.memory_space<hbm>>) target(%arg7 : memref<8x512xi32, #tpu.memory_space<vmem>>) target_semaphore(%arg12 : memref<!tpu.dma_semaphore, #tpu.memory_space<semaphore_mem>>)
    tpu.enqueue_dma source(%arg3 : memref<100000xf32, #tpu.memory_space<hbm>>) target(%arg5 : memref<100000xf32, #tpu.memory_space<vmem>>) target_semaphore(%arg10 : memref<!tpu.dma_semaphore, #tpu.memory_space<semaphore_mem>>)
    tpu.wait_dma2 semaphore(%arg10 : memref<!tpu.dma_semaphore, #tpu.memory_space<semaphore_mem>>) src(%arg3 : memref<100000xf32, #tpu.memory_space<hbm>>) dst(%arg5 : memref<100000xf32, #tpu.memory_space<vmem>>)
    %scan3A = arith.constant 0 : i32
    %scan3A_10 = arith.constant 0 : i32
    %scan3A_11 = arith.constant 12 : i32
    %scan3A_12 = arith.addi %scan3A_10, %scan3A_11 : i32
    %scan3A_13 = arith.constant 1 : i32
    scf.for %scan3A_36 = %scan3A_10 to %scan3A_12 step %scan3A_13  : i32 {
      %mul3A_37 = arith.constant 2 : i32
      %mul3A_38 = arith.muli %mul3A_37, %scan3A_36 : i32
      %add3A_39 = arith.constant 0 : i32
      %add3A_40 = arith.addi %mul3A_38, %add3A_39 : i32
      %mul3A_41 = arith.constant 8 : i32
      %mul3A_42 = arith.muli %add3A_40, %mul3A_41 : i32
      %dma_wait3A_43 = tpu.memref_slice %arg2[%mul3A_42, %mul3A_2] : memref<200x16384xi32, #tpu.memory_space<hbm>> -> memref<8x512xi32, #tpu.memory_space<hbm>>
      %dma_wait3A_44 = tpu.memref_slice %arg2[%mul3A_42, %mul3A_2] : memref<200x16384xi32, #tpu.memory_space<hbm>> -> memref<8x512xi32, #tpu.memory_space<hbm>>
      tpu.wait_dma2 semaphore(%arg11 : memref<!tpu.dma_semaphore, #tpu.memory_space<semaphore_mem>>) src(%dma_wait3A_44 : memref<8x512xi32, #tpu.memory_space<hbm>>) dst(%arg6 : memref<8x512xi32, #tpu.memory_space<vmem>>)
      %ge3A = arith.constant 1 : i32
      %ge3A_45 = arith.cmpi sge, %scan3A_36, %ge3A : i32
      %convert_element_type3A = arith.extui %ge3A_45 : i1 to i32
      %cond3A = arith.constant 0 : i32
      %cond3A_46 = arith.cmpi ne, %convert_element_type3A, %cond3A : i32
      scf.if %cond3A_46 {
        %sub3A = arith.constant 2 : i32
        %sub3A_84 = arith.subi %add3A_40, %sub3A : i32
        %mul3A_85 = arith.constant 8 : i32
        %mul3A_86 = arith.muli %sub3A_84, %mul3A_85 : i32
        %dma_wait3A_87 = tpu.memref_slice %arg4[%mul3A_86, %mul3A_2] : memref<200x16384xf32, #tpu.memory_space<hbm>> -> memref<8x512xf32, #tpu.memory_space<hbm>>
        %dma_wait3A_88 = tpu.memref_slice %arg4[%mul3A_86, %mul3A_2] : memref<200x16384xf32, #tpu.memory_space<hbm>> -> memref<8x512xf32, #tpu.memory_space<hbm>>
        tpu.wait_dma2 semaphore(%arg13 : memref<!tpu.dma_semaphore, #tpu.memory_space<semaphore_mem>>) src(%arg8 : memref<8x512xf32, #tpu.memory_space<vmem>>) dst(%dma_wait3A_88 : memref<8x512xf32, #tpu.memory_space<hbm>>)
      } else {
      }
      %parallel_loop3A_47 = arith.constant 0 : i32
      %parallel_loop3A_48 = arith.constant 8 : i32
      %parallel_loop3A_49 = arith.constant 1 : i32
      scf.for %parallel_loop3A_84 = %parallel_loop3A_47 to %parallel_loop3A_48 step %parallel_loop3A_49  : i32 {
        %parallel_loop3A_85 = arith.index_cast %parallel_loop3A_84 : i32 to index
        %parallel_loop3A_86 = arith.constant 0 : index
        %parallel_loop3A_87 = tpu.vector_load %arg6[%parallel_loop3A_85, %parallel_loop3A_86] {strides = array<i32>} : memref<8x512xi32, #tpu.memory_space<vmem>>, vector<16xi32>,
        %parallel_loop3A_88 = tpu.vector_load_idx %arg5[%parallel_loop3A_87] : memref<100000xf32, #tpu.memory_space<vmem>>[vector<16xi32>], vector<16xf32>,
        %parallel_loop3A_89 = arith.index_cast %parallel_loop3A_84 : i32 to index
        %parallel_loop3A_90 = arith.constant 0 : index
        %parallel_loop3A_91 = tpu.vector_load %arg8[%parallel_loop3A_89, %parallel_loop3A_90] {strides = array<i32>} : memref<8x512xf32, #tpu.memory_space<vmem>>, vector<16xf32>,
        tpu.vector_store %arg8[%parallel_loop3A_89, %parallel_loop3A_90], %parallel_loop3A_88 {strides = array<i32>} : memref<8x512xf32, #tpu.memory_space<vmem>>, vector<16xf32>,
        %parallel_loop3A_92 = arith.index_cast %parallel_loop3A_84 : i32 to index
        %parallel_loop3A_93 = arith.constant 16 : index
        %parallel_loop3A_94 = tpu.vector_load %arg6[%parallel_loop3A_92, %parallel_loop3A_93] {strides = array<i32>} : memref<8x512xi32, #tpu.memory_space<vmem>>, vector<16xi32>,
        %parallel_loop3A_95 = tpu.vector_load_idx %arg5[%parallel_loop3A_94] : memref<100000xf32, #tpu.memory_space<vmem>>[vector<16xi32>], vector<16xf32>,
        %parallel_loop3A_96 = arith.index_cast %parallel_loop3A_84 : i32 to index
        %parallel_loop3A_97 = arith.constant 16 : index
        %parallel_loop3A_98 = tpu.vector_load %arg8[%parallel_loop3A_96, %parallel_loop3A_97] {strides = array<i32>} : memref<8x512xf32, #tpu.memory_space<vmem>>, vector<16xf32>,
        tpu.vector_store %arg8[%parallel_loop3A_96, %parallel_loop3A_97], %parallel_loop3A_95 {strides = array<i32>} : memref<8x512xf32, #tpu.memory_space<vmem>>, vector<16xf32>,
        %parallel_loop3A_99 = arith.index_cast %parallel_loop3A_84 : i32 to index
        %parallel_loop3A_100 = arith.constant 32 : index
        %parallel_loop3A_101 = tpu.vector_load %arg6[%parallel_loop3A_99, %parallel_loop3A_100] {strides = array<i32>} : memref<8x512xi32, #tpu.memory_space<vmem>>, vector<16xi32>,
        %parallel_loop3A_102 = tpu.vector_load_idx %arg5[%parallel_loop3A_101] : memref<100000xf32, #tpu.memory_space<vmem>>[vector<16xi32>], vector<16xf32>,
        %parallel_loop3A_103 = arith.index_cast %parallel_loop3A_84 : i32 to index
        %parallel_loop3A_104 = arith.constant 32 : index
        %parallel_loop3A_105 = tpu.vector_load %arg8[%parallel_loop3A_103, %parallel_loop3A_104] {strides = array<i32>} : memref<8x512xf32, #tpu.memory_space<vmem>>, vector<16xf32>,
        tpu.vector_store %arg8[%parallel_loop3A_103, %parallel_loop3A_104], %parallel_loop3A_102 {strides = array<i32>} : memref<8x512xf32, #tpu.memory_space<vmem>>, vector<16xf32>,
        %parallel_loop3A_106 = arith.index_cast %parallel_loop3A_84 : i32 to index
        %parallel_loop3A_107 = arith.constant 48 : index
        %parallel_loop3A_108 = tpu.vector_load %arg6[%parallel_loop3A_106, %parallel_loop3A_107] {strides = array<i32>} : memref<8x512xi32, #tpu.memory_space<vmem>>, vector<16xi32>,
        %parallel_loop3A_109 = tpu.vector_load_idx %arg5[%parallel_loop3A_108] : memref<100000xf32, #tpu.memory_space<vmem>>[vector<16xi32>], vector<16xf32>,
        %parallel_loop3A_110 = arith.index_cast %parallel_loop3A_84 : i32 to index
        %parallel_loop3A_111 = arith.constant 48 : index
        %parallel_loop3A_112 = tpu.vector_load %arg8[%parallel_loop3A_110, %parallel_loop3A_111] {strides = array<i32>} : memref<8x512xf32, #tpu.memory_space<vmem>>, vector<16xf32>,
        tpu.vector_store %arg8[%parallel_loop3A_110, %parallel_loop3A_111], %parallel_loop3A_109 {strides = array<i32>} : memref<8x512xf32, #tpu.memory_space<vmem>>, vector<16xf32>,
        %parallel_loop3A_113 = arith.index_cast %parallel_loop3A_84 : i32 to index
        %parallel_loop3A_114 = arith.constant 64 : index
        %parallel_loop3A_115 = tpu.vector_load %arg6[%parallel_loop3A_113, %parallel_loop3A_114] {strides = array<i32>} : memref<8x512xi32, #tpu.memory_space<vmem>>, vector<16xi32>,
        %parallel_loop3A_116 = tpu.vector_load_idx %arg5[%parallel_loop3A_115] : memref<100000xf32, #tpu.memory_space<vmem>>[vector<16xi32>], vector<16xf32>,
        %parallel_loop3A_117 = arith.index_cast %parallel_loop3A_84 : i32 to index
        %parallel_loop3A_118 = arith.constant 64 : index
        %parallel_loop3A_119 = tpu.vector_load %arg8[%parallel_loop3A_117, %parallel_loop3A_118] {strides = array<i32>} : memref<8x512xf32, #tpu.memory_space<vmem>>, vector<16xf32>,
        tpu.vector_store %arg8[%parallel_loop3A_117, %parallel_loop3A_118], %parallel_loop3A_116 {strides = array<i32>} : memref<8x512xf32, #tpu.memory_space<vmem>>, vector<16xf32>,
        %parallel_loop3A_120 = arith.index_cast %parallel_loop3A_84 : i32 to index
        %parallel_loop3A_121 = arith.constant 80 : index
        %parallel_loop3A_122 = tpu.vector_load %arg6[%parallel_loop3A_120, %parallel_loop3A_121] {strides = array<i32>} : memref<8x512xi32, #tpu.memory_space<vmem>>, vector<16xi32>,
        %parallel_loop3A_123 = tpu.vector_load_idx %arg5[%parallel_loop3A_122] : memref<100000xf32, #tpu.memory_space<vmem>>[vector<16xi32>], vector<16xf32>,
        %parallel_loop3A_124 = arith.index_cast %parallel_loop3A_84 : i32 to index
        %parallel_loop3A_125 = arith.constant 80 : index
        %parallel_loop3A_126 = tpu.vector_load %arg8[%parallel_loop3A_124, %parallel_loop3A_125] {strides = array<i32>} : memref<8x512xf32, #tpu.memory_space<vmem>>, vector<16xf32>,
        tpu.vector_store %arg8[%parallel_loop3A_124, %parallel_loop3A_125], %parallel_loop3A_123 {strides = array<i32>} : memref<8x512xf32, #tpu.memory_space<vmem>>, vector<16xf32>,
        %parallel_loop3A_127 = arith.index_cast %parallel_loop3A_84 : i32 to index
        %parallel_loop3A_128 = arith.constant 96 : index
        %parallel_loop3A_129 = tpu.vector_load %arg6[%parallel_loop3A_127, %parallel_loop3A_128] {strides = array<i32>} : memref<8x512xi32, #tpu.memory_space<vmem>>, vector<16xi32>,
        %parallel_loop3A_130 = tpu.vector_load_idx %arg5[%parallel_loop3A_129] : memref<100000xf32, #tpu.memory_space<vmem>>[vector<16xi32>], vector<16xf32>,
        %parallel_loop3A_131 = arith.index_cast %parallel_loop3A_84 : i32 to index
        %parallel_loop3A_132 = arith.constant 96 : index
        %parallel_loop3A_133 = tpu.vector_load %arg8[%parallel_loop3A_131, %parallel_loop3A_132] {strides = array<i32>} : memref<8x512xf32, #tpu.memory_space<vmem>>, vector<16xf32>,
        tpu.vector_store %arg8[%parallel_loop3A_131, %parallel_loop3A_132], %parallel_loop3A_130 {strides = array<i32>} : memref<8x512xf32, #tpu.memory_space<vmem>>, vector<16xf32>,
        %parallel_loop3A_134 = arith.index_cast %parallel_loop3A_84 : i32 to index
        %parallel_loop3A_135 = arith.constant 112 : index
        %parallel_loop3A_136 = tpu.vector_load %arg6[%parallel_loop3A_134, %parallel_loop3A_135] {strides = array<i32>} : memref<8x512xi32, #tpu.memory_space<vmem>>, vector<16xi32>,
        %parallel_loop3A_137 = tpu.vector_load_idx %arg5[%parallel_loop3A_136] : memref<100000xf32, #tpu.memory_space<vmem>>[vector<16xi32>], vector<16xf32>,
        %parallel_loop3A_138 = arith.index_cast %parallel_loop3A_84 : i32 to index
        %parallel_loop3A_139 = arith.constant 112 : index
        %parallel_loop3A_140 = tpu.vector_load %arg8[%parallel_loop3A_138, %parallel_loop3A_139] {strides = array<i32>} : memref<8x512xf32, #tpu.memory_space<vmem>>, vector<16xf32>,
        tpu.vector_store %arg8[%parallel_loop3A_138, %parallel_loop3A_139], %parallel_loop3A_137 {strides = array<i32>} : memref<8x512xf32, #tpu.memory_space<vmem>>, vector<16xf32>,
        %parallel_loop3A_141 = arith.index_cast %parallel_loop3A_84 : i32 to index
        %parallel_loop3A_142 = arith.constant 128 : index
        %parallel_loop3A_143 = tpu.vector_load %arg6[%parallel_loop3A_141, %parallel_loop3A_142] {strides = array<i32>} : memref<8x512xi32, #tpu.memory_space<vmem>>, vector<16xi32>,
        %parallel_loop3A_144 = tpu.vector_load_idx %arg5[%parallel_loop3A_143] : memref<100000xf32, #tpu.memory_space<vmem>>[vector<16xi32>], vector<16xf32>,
        %parallel_loop3A_145 = arith.index_cast %parallel_loop3A_84 : i32 to index
        %parallel_loop3A_146 = arith.constant 128 : index
        %parallel_loop3A_147 = tpu.vector_load %arg8[%parallel_loop3A_145, %parallel_loop3A_146] {strides = array<i32>} : memref<8x512xf32, #tpu.memory_space<vmem>>, vector<16xf32>,
        tpu.vector_store %arg8[%parallel_loop3A_145, %parallel_loop3A_146], %parallel_loop3A_144 {strides = array<i32>} : memref<8x512xf32, #tpu.memory_space<vmem>>, vector<16xf32>,
        %parallel_loop3A_148 = arith.index_cast %parallel_loop3A_84 : i32 to index
        %parallel_loop3A_149 = arith.constant 144 : index
        %parallel_loop3A_150 = tpu.vector_load %arg6[%parallel_loop3A_148, %parallel_loop3A_149] {strides = array<i32>} : memref<8x512xi32, #tpu.memory_space<vmem>>, vector<16xi32>,
        %parallel_loop3A_151 = tpu.vector_load_idx %arg5[%parallel_loop3A_150] : memref<100000xf32, #tpu.memory_space<vmem>>[vector<16xi32>], vector<16xf32>,
        %parallel_loop3A_152 = arith.index_cast %parallel_loop3A_84 : i32 to index
        %parallel_loop3A_153 = arith.constant 144 : index
        %parallel_loop3A_154 = tpu.vector_load %arg8[%parallel_loop3A_152, %parallel_loop3A_153] {strides = array<i32>} : memref<8x512xf32, #tpu.memory_space<vmem>>, vector<16xf32>,
        tpu.vector_store %arg8[%parallel_loop3A_152, %parallel_loop3A_153], %parallel_loop3A_151 {strides = array<i32>} : memref<8x512xf32, #tpu.memory_space<vmem>>, vector<16xf32>,
        %parallel_loop3A_155 = arith.index_cast %parallel_loop3A_84 : i32 to index
        %parallel_loop3A_156 = arith.constant 160 : index
        %parallel_loop3A_157 = tpu.vector_load %arg6[%parallel_loop3A_155, %parallel_loop3A_156] {strides = array<i32>} : memref<8x512xi32, #tpu.memory_space<vmem>>, vector<16xi32>,
        %parallel_loop3A_158 = tpu.vector_load_idx %arg5[%parallel_loop3A_157] : memref<100000xf32, #tpu.memory_space<vmem>>[vector<16xi32>], vector<16xf32>,
        %parallel_loop3A_159 = arith.index_cast %parallel_loop3A_84 : i32 to index
        %parallel_loop3A_160 = arith.constant 160 : index
        %parallel_loop3A_161 = tpu.vector_load %arg8[%parallel_loop3A_159, %parallel_loop3A_160] {strides = array<i32>} : memref<8x512xf32, #tpu.memory_space<vmem>>, vector<16xf32>,
        tpu.vector_store %arg8[%parallel_loop3A_159, %parallel_loop3A_160], %parallel_loop3A_158 {strides = array<i32>} : memref<8x512xf32, #tpu.memory_space<vmem>>, vector<16xf32>,
        %parallel_loop3A_162 = arith.index_cast %parallel_loop3A_84 : i32 to index
        %parallel_loop3A_163 = arith.constant 176 : index
        %parallel_loop3A_164 = tpu.vector_load %arg6[%parallel_loop3A_162, %parallel_loop3A_163] {strides = array<i32>} : memref<8x512xi32, #tpu.memory_space<vmem>>, vector<16xi32>,
        %parallel_loop3A_165 = tpu.vector_load_idx %arg5[%parallel_loop3A_164] : memref<100000xf32, #tpu.memory_space<vmem>>[vector<16xi32>], vector<16xf32>,
        %parallel_loop3A_166 = arith.index_cast %parallel_loop3A_84 : i32 to index
        %parallel_loop3A_167 = arith.constant 176 : index
        %parallel_loop3A_168 = tpu.vector_load %arg8[%parallel_loop3A_166, %parallel_loop3A_167] {strides = array<i32>} : memref<8x512xf32, #tpu.memory_space<vmem>>, vector<16xf32>,
        tpu.vector_store %arg8[%parallel_loop3A_166, %parallel_loop3A_167], %parallel_loop3A_165 {strides = array<i32>} : memref<8x512xf32, #tpu.memory_space<vmem>>, vector<16xf32>,
        %parallel_loop3A_169 = arith.index_cast %parallel_loop3A_84 : i32 to index
        %parallel_loop3A_170 = arith.constant 192 : index
        %parallel_loop3A_171 = tpu.vector_load %arg6[%parallel_loop3A_169, %parallel_loop3A_170] {strides = array<i32>} : memref<8x512xi32, #tpu.memory_space<vmem>>, vector<16xi32>,
        %parallel_loop3A_172 = tpu.vector_load_idx %arg5[%parallel_loop3A_171] : memref<100000xf32, #tpu.memory_space<vmem>>[vector<16xi32>], vector<16xf32>,
        %parallel_loop3A_173 = arith.index_cast %parallel_loop3A_84 : i32 to index
        %parallel_loop3A_174 = arith.constant 192 : index
        %parallel_loop3A_175 = tpu.vector_load %arg8[%parallel_loop3A_173, %parallel_loop3A_174] {strides = array<i32>} : memref<8x512xf32, #tpu.memory_space<vmem>>, vector<16xf32>,
        tpu.vector_store %arg8[%parallel_loop3A_173, %parallel_loop3A_174], %parallel_loop3A_172 {strides = array<i32>} : memref<8x512xf32, #tpu.memory_space<vmem>>, vector<16xf32>,
        %parallel_loop3A_176 = arith.index_cast %parallel_loop3A_84 : i32 to index
        %parallel_loop3A_177 = arith.constant 208 : index
        %parallel_loop3A_178 = tpu.vector_load %arg6[%parallel_loop3A_176, %parallel_loop3A_177] {strides = array<i32>} : memref<8x512xi32, #tpu.memory_space<vmem>>, vector<16xi32>,
        %parallel_loop3A_179 = tpu.vector_load_idx %arg5[%parallel_loop3A_178] : memref<100000xf32, #tpu.memory_space<vmem>>[vector<16xi32>], vector<16xf32>,
        %parallel_loop3A_180 = arith.index_cast %parallel_loop3A_84 : i32 to index
        %parallel_loop3A_181 = arith.constant 208 : index
        %parallel_loop3A_182 = tpu.vector_load %arg8[%parallel_loop3A_180, %parallel_loop3A_181] {strides = array<i32>} : memref<8x512xf32, #tpu.memory_space<vmem>>, vector<16xf32>,
        tpu.vector_store %arg8[%parallel_loop3A_180, %parallel_loop3A_181], %parallel_loop3A_179 {strides = array<i32>} : memref<8x512xf32, #tpu.memory_space<vmem>>, vector<16xf32>,
        %parallel_loop3A_183 = arith.index_cast %parallel_loop3A_84 : i32 to index
        %parallel_loop3A_184 = arith.constant 224 : index
        %parallel_loop3A_185 = tpu.vector_load %arg6[%parallel_loop3A_183, %parallel_loop3A_184] {strides = array<i32>} : memref<8x512xi32, #tpu.memory_space<vmem>>, vector<16xi32>,
        %parallel_loop3A_186 = tpu.vector_load_idx %arg5[%parallel_loop3A_185] : memref<100000xf32, #tpu.memory_space<vmem>>[vector<16xi32>], vector<16xf32>,
        %parallel_loop3A_187 = arith.index_cast %parallel_loop3A_84 : i32 to index
        %parallel_loop3A_188 = arith.constant 224 : index
        %parallel_loop3A_189 = tpu.vector_load %arg8[%parallel_loop3A_187, %parallel_loop3A_188] {strides = array<i32>} : memref<8x512xf32, #tpu.memory_space<vmem>>, vector<16xf32>,
        tpu.vector_store %arg8[%parallel_loop3A_187, %parallel_loop3A_188], %parallel_loop3A_186 {strides = array<i32>} : memref<8x512xf32, #tpu.memory_space<vmem>>, vector<16xf32>,
        %parallel_loop3A_190 = arith.index_cast %parallel_loop3A_84 : i32 to index
        %parallel_loop3A_191 = arith.constant 240 : index
        %parallel_loop3A_192 = tpu.vector_load %arg6[%parallel_loop3A_190, %parallel_loop3A_191] {strides = array<i32>} : memref<8x512xi32, #tpu.memory_space<vmem>>, vector<16xi32>,
        %parallel_loop3A_193 = tpu.vector_load_idx %arg5[%parallel_loop3A_192] : memref<100000xf32, #tpu.memory_space<vmem>>[vector<16xi32>], vector<16xf32>,
        %parallel_loop3A_194 = arith.index_cast %parallel_loop3A_84 : i32 to index
        %parallel_loop3A_195 = arith.constant 240 : index
        %parallel_loop3A_196 = tpu.vector_load %arg8[%parallel_loop3A_194, %parallel_loop3A_195] {strides = array<i32>} : memref<8x512xf32, #tpu.memory_space<vmem>>, vector<16xf32>,
        tpu.vector_store %arg8[%parallel_loop3A_194, %parallel_loop3A_195], %parallel_loop3A_193 {strides = array<i32>} : memref<8x512xf32, #tpu.memory_space<vmem>>, vector<16xf32>,
        %parallel_loop3A_197 = arith.index_cast %parallel_loop3A_84 : i32 to index
        %parallel_loop3A_198 = arith.constant 256 : index
        %parallel_loop3A_199 = tpu.vector_load %arg6[%parallel_loop3A_197, %parallel_loop3A_198] {strides = array<i32>} : memref<8x512xi32, #tpu.memory_space<vmem>>, vector<16xi32>,
        %parallel_loop3A_200 = tpu.vector_load_idx %arg5[%parallel_loop3A_199] : memref<100000xf32, #tpu.memory_space<vmem>>[vector<16xi32>], vector<16xf32>,
        %parallel_loop3A_201 = arith.index_cast %parallel_loop3A_84 : i32 to index
        %parallel_loop3A_202 = arith.constant 256 : index
        %parallel_loop3A_203 = tpu.vector_load %arg8[%parallel_loop3A_201, %parallel_loop3A_202] {strides = array<i32>} : memref<8x512xf32, #tpu.memory_space<vmem>>, vector<16xf32>,
        tpu.vector_store %arg8[%parallel_loop3A_201, %parallel_loop3A_202], %parallel_loop3A_200 {strides = array<i32>} : memref<8x512xf32, #tpu.memory_space<vmem>>, vector<16xf32>,
        %parallel_loop3A_204 = arith.index_cast %parallel_loop3A_84 : i32 to index
        %parallel_loop3A_205 = arith.constant 272 : index
        %parallel_loop3A_206 = tpu.vector_load %arg6[%parallel_loop3A_204, %parallel_loop3A_205] {strides = array<i32>} : memref<8x512xi32, #tpu.memory_space<vmem>>, vector<16xi32>,
        %parallel_loop3A_207 = tpu.vector_load_idx %arg5[%parallel_loop3A_206] : memref<100000xf32, #tpu.memory_space<vmem>>[vector<16xi32>], vector<16xf32>,
        %parallel_loop3A_208 = arith.index_cast %parallel_loop3A_84 : i32 to index
        %parallel_loop3A_209 = arith.constant 272 : index
        %parallel_loop3A_210 = tpu.vector_load %arg8[%parallel_loop3A_208, %parallel_loop3A_209] {strides = array<i32>} : memref<8x512xf32, #tpu.memory_space<vmem>>, vector<16xf32>,
        tpu.vector_store %arg8[%parallel_loop3A_208, %parallel_loop3A_209], %parallel_loop3A_207 {strides = array<i32>} : memref<8x512xf32, #tpu.memory_space<vmem>>, vector<16xf32>,
        %parallel_loop3A_211 = arith.index_cast %parallel_loop3A_84 : i32 to index
        %parallel_loop3A_212 = arith.constant 288 : index
        %parallel_loop3A_213 = tpu.vector_load %arg6[%parallel_loop3A_211, %parallel_loop3A_212] {strides = array<i32>} : memref<8x512xi32, #tpu.memory_space<vmem>>, vector<16xi32>,
        %parallel_loop3A_214 = tpu.vector_load_idx %arg5[%parallel_loop3A_213] : memref<100000xf32, #tpu.memory_space<vmem>>[vector<16xi32>], vector<16xf32>,
        %parallel_loop3A_215 = arith.index_cast %parallel_loop3A_84 : i32 to index
        %parallel_loop3A_216 = arith.constant 288 : index
        %parallel_loop3A_217 = tpu.vector_load %arg8[%parallel_loop3A_215, %parallel_loop3A_216] {strides = array<i32>} : memref<8x512xf32, #tpu.memory_space<vmem>>, vector<16xf32>,
        tpu.vector_store %arg8[%parallel_loop3A_215, %parallel_loop3A_216], %parallel_loop3A_214 {strides = array<i32>} : memref<8x512xf32, #tpu.memory_space<vmem>>, vector<16xf32>,
        %parallel_loop3A_218 = arith.index_cast %parallel_loop3A_84 : i32 to index
        %parallel_loop3A_219 = arith.constant 304 : index
        %parallel_loop3A_220 = tpu.vector_load %arg6[%parallel_loop3A_218, %parallel_loop3A_219] {strides = array<i32>} : memref<8x512xi32, #tpu.memory_space<vmem>>, vector<16xi32>,
        %parallel_loop3A_221 = tpu.vector_load_idx %arg5[%parallel_loop3A_220] : memref<100000xf32, #tpu.memory_space<vmem>>[vector<16xi32>], vector<16xf32>,
        %parallel_loop3A_222 = arith.index_cast %parallel_loop3A_84 : i32 to index
        %parallel_loop3A_223 = arith.constant 304 : index
        %parallel_loop3A_224 = tpu.vector_load %arg8[%parallel_loop3A_222, %parallel_loop3A_223] {strides = array<i32>} : memref<8x512xf32, #tpu.memory_space<vmem>>, vector<16xf32>,
        tpu.vector_store %arg8[%parallel_loop3A_222, %parallel_loop3A_223], %parallel_loop3A_221 {strides = array<i32>} : memref<8x512xf32, #tpu.memory_space<vmem>>, vector<16xf32>,
        %parallel_loop3A_225 = arith.index_cast %parallel_loop3A_84 : i32 to index
        %parallel_loop3A_226 = arith.constant 320 : index
        %parallel_loop3A_227 = tpu.vector_load %arg6[%parallel_loop3A_225, %parallel_loop3A_226] {strides = array<i32>} : memref<8x512xi32, #tpu.memory_space<vmem>>, vector<16xi32>,
        %parallel_loop3A_228 = tpu.vector_load_idx %arg5[%parallel_loop3A_227] : memref<100000xf32, #tpu.memory_space<vmem>>[vector<16xi32>], vector<16xf32>,
        %parallel_loop3A_229 = arith.index_cast %parallel_loop3A_84 : i32 to index
        %parallel_loop3A_230 = arith.constant 320 : index
        %parallel_loop3A_231 = tpu.vector_load %arg8[%parallel_loop3A_229, %parallel_loop3A_230] {strides = array<i32>} : memref<8x512xf32, #tpu.memory_space<vmem>>, vector<16xf32>,
        tpu.vector_store %arg8[%parallel_loop3A_229, %parallel_loop3A_230], %parallel_loop3A_228 {strides = array<i32>} : memref<8x512xf32, #tpu.memory_space<vmem>>, vector<16xf32>,
        %parallel_loop3A_232 = arith.index_cast %parallel_loop3A_84 : i32 to index
        %parallel_loop3A_233 = arith.constant 336 : index
        %parallel_loop3A_234 = tpu.vector_load %arg6[%parallel_loop3A_232, %parallel_loop3A_233] {strides = array<i32>} : memref<8x512xi32, #tpu.memory_space<vmem>>, vector<16xi32>,
        %parallel_loop3A_235 = tpu.vector_load_idx %arg5[%parallel_loop3A_234] : memref<100000xf32, #tpu.memory_space<vmem>>[vector<16xi32>], vector<16xf32>,
        %parallel_loop3A_236 = arith.index_cast %parallel_loop3A_84 : i32 to index
        %parallel_loop3A_237 = arith.constant 336 : index
        %parallel_loop3A_238 = tpu.vector_load %arg8[%parallel_loop3A_236, %parallel_loop3A_237] {strides = array<i32>} : memref<8x512xf32, #tpu.memory_space<vmem>>, vector<16xf32>,
        tpu.vector_store %arg8[%parallel_loop3A_236, %parallel_loop3A_237], %parallel_loop3A_235 {strides = array<i32>} : memref<8x512xf32, #tpu.memory_space<vmem>>, vector<16xf32>,
        %parallel_loop3A_239 = arith.index_cast %parallel_loop3A_84 : i32 to index
        %parallel_loop3A_240 = arith.constant 352 : index
        %parallel_loop3A_241 = tpu.vector_load %arg6[%parallel_loop3A_239, %parallel_loop3A_240] {strides = array<i32>} : memref<8x512xi32, #tpu.memory_space<vmem>>, vector<16xi32>,
        %parallel_loop3A_242 = tpu.vector_load_idx %arg5[%parallel_loop3A_241] : memref<100000xf32, #tpu.memory_space<vmem>>[vector<16xi32>], vector<16xf32>,
        %parallel_loop3A_243 = arith.index_cast %parallel_loop3A_84 : i32 to index
        %parallel_loop3A_244 = arith.constant 352 : index
        %parallel_loop3A_245 = tpu.vector_load %arg8[%parallel_loop3A_243, %parallel_loop3A_244] {strides = array<i32>} : memref<8x512xf32, #tpu.memory_space<vmem>>, vector<16xf32>,
        tpu.vector_store %arg8[%parallel_loop3A_243, %parallel_loop3A_244], %parallel_loop3A_242 {strides = array<i32>} : memref<8x512xf32, #tpu.memory_space<vmem>>, vector<16xf32>,
        %parallel_loop3A_246 = arith.index_cast %parallel_loop3A_84 : i32 to index
        %parallel_loop3A_247 = arith.constant 368 : index
        %parallel_loop3A_248 = tpu.vector_load %arg6[%parallel_loop3A_246, %parallel_loop3A_247] {strides = array<i32>} : memref<8x512xi32, #tpu.memory_space<vmem>>, vector<16xi32>,
        %parallel_loop3A_249 = tpu.vector_load_idx %arg5[%parallel_loop3A_248] : memref<100000xf32, #tpu.memory_space<vmem>>[vector<16xi32>], vector<16xf32>,
        %parallel_loop3A_250 = arith.index_cast %parallel_loop3A_84 : i32 to index
        %parallel_loop3A_251 = arith.constant 368 : index
        %parallel_loop3A_252 = tpu.vector_load %arg8[%parallel_loop3A_250, %parallel_loop3A_251] {strides = array<i32>} : memref<8x512xf32, #tpu.memory_space<vmem>>, vector<16xf32>,
        tpu.vector_store %arg8[%parallel_loop3A_250, %parallel_loop3A_251], %parallel_loop3A_249 {strides = array<i32>} : memref<8x512xf32, #tpu.memory_space<vmem>>, vector<16xf32>,
        %parallel_loop3A_253 = arith.index_cast %parallel_loop3A_84 : i32 to index
        %parallel_loop3A_254 = arith.constant 384 : index
        %parallel_loop3A_255 = tpu.vector_load %arg6[%parallel_loop3A_253, %parallel_loop3A_254] {strides = array<i32>} : memref<8x512xi32, #tpu.memory_space<vmem>>, vector<16xi32>,
        %parallel_loop3A_256 = tpu.vector_load_idx %arg5[%parallel_loop3A_255] : memref<100000xf32, #tpu.memory_space<vmem>>[vector<16xi32>], vector<16xf32>,
        %parallel_loop3A_257 = arith.index_cast %parallel_loop3A_84 : i32 to index
        %parallel_loop3A_258 = arith.constant 384 : index
        %parallel_loop3A_259 = tpu.vector_load %arg8[%parallel_loop3A_257, %parallel_loop3A_258] {strides = array<i32>} : memref<8x512xf32, #tpu.memory_space<vmem>>, vector<16xf32>,
        tpu.vector_store %arg8[%parallel_loop3A_257, %parallel_loop3A_258], %parallel_loop3A_256 {strides = array<i32>} : memref<8x512xf32, #tpu.memory_space<vmem>>, vector<16xf32>,
        %parallel_loop3A_260 = arith.index_cast %parallel_loop3A_84 : i32 to index
        %parallel_loop3A_261 = arith.constant 400 : index
        %parallel_loop3A_262 = tpu.vector_load %arg6[%parallel_loop3A_260, %parallel_loop3A_261] {strides = array<i32>} : memref<8x512xi32, #tpu.memory_space<vmem>>, vector<16xi32>,
        %parallel_loop3A_263 = tpu.vector_load_idx %arg5[%parallel_loop3A_262] : memref<100000xf32, #tpu.memory_space<vmem>>[vector<16xi32>], vector<16xf32>,
        %parallel_loop3A_264 = arith.index_cast %parallel_loop3A_84 : i32 to index
        %parallel_loop3A_265 = arith.constant 400 : index
        %parallel_loop3A_266 = tpu.vector_load %arg8[%parallel_loop3A_264, %parallel_loop3A_265] {strides = array<i32>} : memref<8x512xf32, #tpu.memory_space<vmem>>, vector<16xf32>,
        tpu.vector_store %arg8[%parallel_loop3A_264, %parallel_loop3A_265], %parallel_loop3A_263 {strides = array<i32>} : memref<8x512xf32, #tpu.memory_space<vmem>>, vector<16xf32>,
        %parallel_loop3A_267 = arith.index_cast %parallel_loop3A_84 : i32 to index
        %parallel_loop3A_268 = arith.constant 416 : index
        %parallel_loop3A_269 = tpu.vector_load %arg6[%parallel_loop3A_267, %parallel_loop3A_268] {strides = array<i32>} : memref<8x512xi32, #tpu.memory_space<vmem>>, vector<16xi32>,
        %parallel_loop3A_270 = tpu.vector_load_idx %arg5[%parallel_loop3A_269] : memref<100000xf32, #tpu.memory_space<vmem>>[vector<16xi32>], vector<16xf32>,
        %parallel_loop3A_271 = arith.index_cast %parallel_loop3A_84 : i32 to index
        %parallel_loop3A_272 = arith.constant 416 : index
        %parallel_loop3A_273 = tpu.vector_load %arg8[%parallel_loop3A_271, %parallel_loop3A_272] {strides = array<i32>} : memref<8x512xf32, #tpu.memory_space<vmem>>, vector<16xf32>,
        tpu.vector_store %arg8[%parallel_loop3A_271, %parallel_loop3A_272], %parallel_loop3A_270 {strides = array<i32>} : memref<8x512xf32, #tpu.memory_space<vmem>>, vector<16xf32>,
        %parallel_loop3A_274 = arith.index_cast %parallel_loop3A_84 : i32 to index
        %parallel_loop3A_275 = arith.constant 432 : index
        %parallel_loop3A_276 = tpu.vector_load %arg6[%parallel_loop3A_274, %parallel_loop3A_275] {strides = array<i32>} : memref<8x512xi32, #tpu.memory_space<vmem>>, vector<16xi32>,
        %parallel_loop3A_277 = tpu.vector_load_idx %arg5[%parallel_loop3A_276] : memref<100000xf32, #tpu.memory_space<vmem>>[vector<16xi32>], vector<16xf32>,
        %parallel_loop3A_278 = arith.index_cast %parallel_loop3A_84 : i32 to index
        %parallel_loop3A_279 = arith.constant 432 : index
        %parallel_loop3A_280 = tpu.vector_load %arg8[%parallel_loop3A_278, %parallel_loop3A_279] {strides = array<i32>} : memref<8x512xf32, #tpu.memory_space<vmem>>, vector<16xf32>,
        tpu.vector_store %arg8[%parallel_loop3A_278, %parallel_loop3A_279], %parallel_loop3A_277 {strides = array<i32>} : memref<8x512xf32, #tpu.memory_space<vmem>>, vector<16xf32>,
        %parallel_loop3A_281 = arith.index_cast %parallel_loop3A_84 : i32 to index
        %parallel_loop3A_282 = arith.constant 448 : index
        %parallel_loop3A_283 = tpu.vector_load %arg6[%parallel_loop3A_281, %parallel_loop3A_282] {strides = array<i32>} : memref<8x512xi32, #tpu.memory_space<vmem>>, vector<16xi32>,
        %parallel_loop3A_284 = tpu.vector_load_idx %arg5[%parallel_loop3A_283] : memref<100000xf32, #tpu.memory_space<vmem>>[vector<16xi32>], vector<16xf32>,
        %parallel_loop3A_285 = arith.index_cast %parallel_loop3A_84 : i32 to index
        %parallel_loop3A_286 = arith.constant 448 : index
        %parallel_loop3A_287 = tpu.vector_load %arg8[%parallel_loop3A_285, %parallel_loop3A_286] {strides = array<i32>} : memref<8x512xf32, #tpu.memory_space<vmem>>, vector<16xf32>,
        tpu.vector_store %arg8[%parallel_loop3A_285, %parallel_loop3A_286], %parallel_loop3A_284 {strides = array<i32>} : memref<8x512xf32, #tpu.memory_space<vmem>>, vector<16xf32>,
        %parallel_loop3A_288 = arith.index_cast %parallel_loop3A_84 : i32 to index
        %parallel_loop3A_289 = arith.constant 464 : index
        %parallel_loop3A_290 = tpu.vector_load %arg6[%parallel_loop3A_288, %parallel_loop3A_289] {strides = array<i32>} : memref<8x512xi32, #tpu.memory_space<vmem>>, vector<16xi32>,
        %parallel_loop3A_291 = tpu.vector_load_idx %arg5[%parallel_loop3A_290] : memref<100000xf32, #tpu.memory_space<vmem>>[vector<16xi32>], vector<16xf32>,
        %parallel_loop3A_292 = arith.index_cast %parallel_loop3A_84 : i32 to index
        %parallel_loop3A_293 = arith.constant 464 : index
        %parallel_loop3A_294 = tpu.vector_load %arg8[%parallel_loop3A_292, %parallel_loop3A_293] {strides = array<i32>} : memref<8x512xf32, #tpu.memory_space<vmem>>, vector<16xf32>,
        tpu.vector_store %arg8[%parallel_loop3A_292, %parallel_loop3A_293], %parallel_loop3A_291 {strides = array<i32>} : memref<8x512xf32, #tpu.memory_space<vmem>>, vector<16xf32>,
        %parallel_loop3A_295 = arith.index_cast %parallel_loop3A_84 : i32 to index
        %parallel_loop3A_296 = arith.constant 480 : index
        %parallel_loop3A_297 = tpu.vector_load %arg6[%parallel_loop3A_295, %parallel_loop3A_296] {strides = array<i32>} : memref<8x512xi32, #tpu.memory_space<vmem>>, vector<16xi32>,
        %parallel_loop3A_298 = tpu.vector_load_idx %arg5[%parallel_loop3A_297] : memref<100000xf32, #tpu.memory_space<vmem>>[vector<16xi32>], vector<16xf32>,
        %parallel_loop3A_299 = arith.index_cast %parallel_loop3A_84 : i32 to index
        %parallel_loop3A_300 = arith.constant 480 : index
        %parallel_loop3A_301 = tpu.vector_load %arg8[%parallel_loop3A_299, %parallel_loop3A_300] {strides = array<i32>} : memref<8x512xf32, #tpu.memory_space<vmem>>, vector<16xf32>,
        tpu.vector_store %arg8[%parallel_loop3A_299, %parallel_loop3A_300], %parallel_loop3A_298 {strides = array<i32>} : memref<8x512xf32, #tpu.memory_space<vmem>>, vector<16xf32>,
        %parallel_loop3A_302 = arith.index_cast %parallel_loop3A_84 : i32 to index
        %parallel_loop3A_303 = arith.constant 496 : index
        %parallel_loop3A_304 = tpu.vector_load %arg6[%parallel_loop3A_302, %parallel_loop3A_303] {strides = array<i32>} : memref<8x512xi32, #tpu.memory_space<vmem>>, vector<16xi32>,
        %parallel_loop3A_305 = tpu.vector_load_idx %arg5[%parallel_loop3A_304] : memref<100000xf32, #tpu.memory_space<vmem>>[vector<16xi32>], vector<16xf32>,
        %parallel_loop3A_306 = arith.index_cast %parallel_loop3A_84 : i32 to index
        %parallel_loop3A_307 = arith.constant 496 : index
        %parallel_loop3A_308 = tpu.vector_load %arg8[%parallel_loop3A_306, %parallel_loop3A_307] {strides = array<i32>} : memref<8x512xf32, #tpu.memory_space<vmem>>, vector<16xf32>,
        tpu.vector_store %arg8[%parallel_loop3A_306, %parallel_loop3A_307], %parallel_loop3A_305 {strides = array<i32>} : memref<8x512xf32, #tpu.memory_space<vmem>>, vector<16xf32>,
      } {sc.loop_unroll_factor = 4 : i64, sc.parallel_access}
      %mul3A_50 = arith.constant 8 : i32
      %mul3A_51 = arith.muli %add3A_40, %mul3A_50 : i32
      %dma_start3A_52 = tpu.memref_slice %arg4[%mul3A_51, %mul3A_2] : memref<200x16384xf32, #tpu.memory_space<hbm>> -> memref<8x512xf32, #tpu.memory_space<hbm>>
      %dma_start3A_53 = tpu.memref_slice %arg4[%mul3A_51, %mul3A_2] : memref<200x16384xf32, #tpu.memory_space<hbm>> -> memref<8x512xf32, #tpu.memory_space<hbm>>
      tpu.enqueue_dma source(%arg8 : memref<8x512xf32, #tpu.memory_space<vmem>>) target(%dma_start3A_53 : memref<8x512xf32, #tpu.memory_space<hbm>>) target_semaphore(%arg13 : memref<!tpu.dma_semaphore, #tpu.memory_space<semaphore_mem>>)
      %add3A_54 = arith.constant 2 : i32
      %add3A_55 = arith.addi %add3A_40, %add3A_54 : i32
      %mul3A_56 = arith.constant 8 : i32
      %mul3A_57 = arith.muli %add3A_55, %mul3A_56 : i32
      %dma_start3A_58 = tpu.memref_slice %arg2[%mul3A_57, %mul3A_2] : memref<200x16384xi32, #tpu.memory_space<hbm>> -> memref<8x512xi32, #tpu.memory_space<hbm>>
      %dma_start3A_59 = tpu.memref_slice %arg2[%mul3A_57, %mul3A_2] : memref<200x16384xi32, #tpu.memory_space<hbm>> -> memref<8x512xi32, #tpu.memory_space<hbm>>
      tpu.enqueue_dma source(%dma_start3A_59 : memref<8x512xi32, #tpu.memory_space<hbm>>) target(%arg6 : memref<8x512xi32, #tpu.memory_space<vmem>>) target_semaphore(%arg11 : memref<!tpu.dma_semaphore, #tpu.memory_space<semaphore_mem>>)
      %mul3A_60 = arith.constant 2 : i32
      %mul3A_61 = arith.muli %mul3A_60, %scan3A_36 : i32
      %add3A_62 = arith.constant 1 : i32
      %add3A_63 = arith.addi %mul3A_61, %add3A_62 : i32
      %mul3A_64 = arith.constant 8 : i32
      %mul3A_65 = arith.muli %add3A_63, %mul3A_64 : i32
      %dma_wait3A_66 = tpu.memref_slice %arg2[%mul3A_65, %mul3A_2] : memref<200x16384xi32, #tpu.memory_space<hbm>> -> memref<8x512xi32, #tpu.memory_space<hbm>>
      %dma_wait3A_67 = tpu.memref_slice %arg2[%mul3A_65, %mul3A_2] : memref<200x16384xi32, #tpu.memory_space<hbm>> -> memref<8x512xi32, #tpu.memory_space<hbm>>
      tpu.wait_dma2 semaphore(%arg12 : memref<!tpu.dma_semaphore, #tpu.memory_space<semaphore_mem>>) src(%dma_wait3A_67 : memref<8x512xi32, #tpu.memory_space<hbm>>) dst(%arg7 : memref<8x512xi32, #tpu.memory_space<vmem>>)
      %ge3A_68 = arith.constant 1 : i32
      %ge3A_69 = arith.cmpi sge, %scan3A_36, %ge3A_68 : i32
      %convert_element_type3A_70 = arith.extui %ge3A_69 : i1 to i32
      %cond3A_71 = arith.constant 0 : i32
      %cond3A_72 = arith.cmpi ne, %convert_element_type3A_70, %cond3A_71 : i32
      scf.if %cond3A_72 {
        %sub3A = arith.constant 2 : i32
        %sub3A_84 = arith.subi %add3A_63, %sub3A : i32
        %mul3A_85 = arith.constant 8 : i32
        %mul3A_86 = arith.muli %sub3A_84, %mul3A_85 : i32
        %dma_wait3A_87 = tpu.memref_slice %arg4[%mul3A_86, %mul3A_2] : memref<200x16384xf32, #tpu.memory_space<hbm>> -> memref<8x512xf32, #tpu.memory_space<hbm>>
        %dma_wait3A_88 = tpu.memref_slice %arg4[%mul3A_86, %mul3A_2] : memref<200x16384xf32, #tpu.memory_space<hbm>> -> memref<8x512xf32, #tpu.memory_space<hbm>>
        tpu.wait_dma2 semaphore(%arg14 : memref<!tpu.dma_semaphore, #tpu.memory_space<semaphore_mem>>) src(%arg9 : memref<8x512xf32, #tpu.memory_space<vmem>>) dst(%dma_wait3A_88 : memref<8x512xf32, #tpu.memory_space<hbm>>)
      } else {
      }
      %parallel_loop3A_73 = arith.constant 0 : i32
      %parallel_loop3A_74 = arith.constant 8 : i32
      %parallel_loop3A_75 = arith.constant 1 : i32
      scf.for %parallel_loop3A_84 = %parallel_loop3A_73 to %parallel_loop3A_74 step %parallel_loop3A_75  : i32 {
        %parallel_loop3A_85 = arith.index_cast %parallel_loop3A_84 : i32 to index
        %parallel_loop3A_86 = arith.constant 0 : index
        %parallel_loop3A_87 = tpu.vector_load %arg7[%parallel_loop3A_85, %parallel_loop3A_86] {strides = array<i32>} : memref<8x512xi32, #tpu.memory_space<vmem>>, vector<16xi32>,
        %parallel_loop3A_88 = tpu.vector_load_idx %arg5[%parallel_loop3A_87] : memref<100000xf32, #tpu.memory_space<vmem>>[vector<16xi32>], vector<16xf32>,
        %parallel_loop3A_89 = arith.index_cast %parallel_loop3A_84 : i32 to index
        %parallel_loop3A_90 = arith.constant 0 : index
        %parallel_loop3A_91 = tpu.vector_load %arg9[%parallel_loop3A_89, %parallel_loop3A_90] {strides = array<i32>} : memref<8x512xf32, #tpu.memory_space<vmem>>, vector<16xf32>,
        tpu.vector_store %arg9[%parallel_loop3A_89, %parallel_loop3A_90], %parallel_loop3A_88 {strides = array<i32>} : memref<8x512xf32, #tpu.memory_space<vmem>>, vector<16xf32>,
        %parallel_loop3A_92 = arith.index_cast %parallel_loop3A_84 : i32 to index
        %parallel_loop3A_93 = arith.constant 16 : index
        %parallel_loop3A_94 = tpu.vector_load %arg7[%parallel_loop3A_92, %parallel_loop3A_93] {strides = array<i32>} : memref<8x512xi32, #tpu.memory_space<vmem>>, vector<16xi32>,
        %parallel_loop3A_95 = tpu.vector_load_idx %arg5[%parallel_loop3A_94] : memref<100000xf32, #tpu.memory_space<vmem>>[vector<16xi32>], vector<16xf32>,
        %parallel_loop3A_96 = arith.index_cast %parallel_loop3A_84 : i32 to index
        %parallel_loop3A_97 = arith.constant 16 : index
        %parallel_loop3A_98 = tpu.vector_load %arg9[%parallel_loop3A_96, %parallel_loop3A_97] {strides = array<i32>} : memref<8x512xf32, #tpu.memory_space<vmem>>, vector<16xf32>,
        tpu.vector_store %arg9[%parallel_loop3A_96, %parallel_loop3A_97], %parallel_loop3A_95 {strides = array<i32>} : memref<8x512xf32, #tpu.memory_space<vmem>>, vector<16xf32>,
        %parallel_loop3A_99 = arith.index_cast %parallel_loop3A_84 : i32 to index
        %parallel_loop3A_100 = arith.constant 32 : index
        %parallel_loop3A_101 = tpu.vector_load %arg7[%parallel_loop3A_99, %parallel_loop3A_100] {strides = array<i32>} : memref<8x512xi32, #tpu.memory_space<vmem>>, vector<16xi32>,
        %parallel_loop3A_102 = tpu.vector_load_idx %arg5[%parallel_loop3A_101] : memref<100000xf32, #tpu.memory_space<vmem>>[vector<16xi32>], vector<16xf32>,
        %parallel_loop3A_103 = arith.index_cast %parallel_loop3A_84 : i32 to index
        %parallel_loop3A_104 = arith.constant 32 : index
        %parallel_loop3A_105 = tpu.vector_load %arg9[%parallel_loop3A_103, %parallel_loop3A_104] {strides = array<i32>} : memref<8x512xf32, #tpu.memory_space<vmem>>, vector<16xf32>,
        tpu.vector_store %arg9[%parallel_loop3A_103, %parallel_loop3A_104], %parallel_loop3A_102 {strides = array<i32>} : memref<8x512xf32, #tpu.memory_space<vmem>>, vector<16xf32>,
        %parallel_loop3A_106 = arith.index_cast %parallel_loop3A_84 : i32 to index
        %parallel_loop3A_107 = arith.constant 48 : index
        %parallel_loop3A_108 = tpu.vector_load %arg7[%parallel_loop3A_106, %parallel_loop3A_107] {strides = array<i32>} : memref<8x512xi32, #tpu.memory_space<vmem>>, vector<16xi32>,
        %parallel_loop3A_109 = tpu.vector_load_idx %arg5[%parallel_loop3A_108] : memref<100000xf32, #tpu.memory_space<vmem>>[vector<16xi32>], vector<16xf32>,
        %parallel_loop3A_110 = arith.index_cast %parallel_loop3A_84 : i32 to index
        %parallel_loop3A_111 = arith.constant 48 : index
        %parallel_loop3A_112 = tpu.vector_load %arg9[%parallel_loop3A_110, %parallel_loop3A_111] {strides = array<i32>} : memref<8x512xf32, #tpu.memory_space<vmem>>, vector<16xf32>,
        tpu.vector_store %arg9[%parallel_loop3A_110, %parallel_loop3A_111], %parallel_loop3A_109 {strides = array<i32>} : memref<8x512xf32, #tpu.memory_space<vmem>>, vector<16xf32>,
        %parallel_loop3A_113 = arith.index_cast %parallel_loop3A_84 : i32 to index
        %parallel_loop3A_114 = arith.constant 64 : index
        %parallel_loop3A_115 = tpu.vector_load %arg7[%parallel_loop3A_113, %parallel_loop3A_114] {strides = array<i32>} : memref<8x512xi32, #tpu.memory_space<vmem>>, vector<16xi32>,
        %parallel_loop3A_116 = tpu.vector_load_idx %arg5[%parallel_loop3A_115] : memref<100000xf32, #tpu.memory_space<vmem>>[vector<16xi32>], vector<16xf32>,
        %parallel_loop3A_117 = arith.index_cast %parallel_loop3A_84 : i32 to index
        %parallel_loop3A_118 = arith.constant 64 : index
        %parallel_loop3A_119 = tpu.vector_load %arg9[%parallel_loop3A_117, %parallel_loop3A_118] {strides = array<i32>} : memref<8x512xf32, #tpu.memory_space<vmem>>, vector<16xf32>,
        tpu.vector_store %arg9[%parallel_loop3A_117, %parallel_loop3A_118], %parallel_loop3A_116 {strides = array<i32>} : memref<8x512xf32, #tpu.memory_space<vmem>>, vector<16xf32>,
        %parallel_loop3A_120 = arith.index_cast %parallel_loop3A_84 : i32 to index
        %parallel_loop3A_121 = arith.constant 80 : index
        %parallel_loop3A_122 = tpu.vector_load %arg7[%parallel_loop3A_120, %parallel_loop3A_121] {strides = array<i32>} : memref<8x512xi32, #tpu.memory_space<vmem>>, vector<16xi32>,
        %parallel_loop3A_123 = tpu.vector_load_idx %arg5[%parallel_loop3A_122] : memref<100000xf32, #tpu.memory_space<vmem>>[vector<16xi32>], vector<16xf32>,
        %parallel_loop3A_124 = arith.index_cast %parallel_loop3A_84 : i32 to index
        %parallel_loop3A_125 = arith.constant 80 : index
        %parallel_loop3A_126 = tpu.vector_load %arg9[%parallel_loop3A_124, %parallel_loop3A_125] {strides = array<i32>} : memref<8x512xf32, #tpu.memory_space<vmem>>, vector<16xf32>,
        tpu.vector_store %arg9[%parallel_loop3A_124, %parallel_loop3A_125], %parallel_loop3A_123 {strides = array<i32>} : memref<8x512xf32, #tpu.memory_space<vmem>>, vector<16xf32>,
        %parallel_loop3A_127 = arith.index_cast %parallel_loop3A_84 : i32 to index
        %parallel_loop3A_128 = arith.constant 96 : index
        %parallel_loop3A_129 = tpu.vector_load %arg7[%parallel_loop3A_127, %parallel_loop3A_128] {strides = array<i32>} : memref<8x512xi32, #tpu.memory_space<vmem>>, vector<16xi32>,
        %parallel_loop3A_130 = tpu.vector_load_idx %arg5[%parallel_loop3A_129] : memref<100000xf32, #tpu.memory_space<vmem>>[vector<16xi32>], vector<16xf32>,
        %parallel_loop3A_131 = arith.index_cast %parallel_loop3A_84 : i32 to index
        %parallel_loop3A_132 = arith.constant 96 : index
        %parallel_loop3A_133 = tpu.vector_load %arg9[%parallel_loop3A_131, %parallel_loop3A_132] {strides = array<i32>} : memref<8x512xf32, #tpu.memory_space<vmem>>, vector<16xf32>,
        tpu.vector_store %arg9[%parallel_loop3A_131, %parallel_loop3A_132], %parallel_loop3A_130 {strides = array<i32>} : memref<8x512xf32, #tpu.memory_space<vmem>>, vector<16xf32>,
        %parallel_loop3A_134 = arith.index_cast %parallel_loop3A_84 : i32 to index
        %parallel_loop3A_135 = arith.constant 112 : index
        %parallel_loop3A_136 = tpu.vector_load %arg7[%parallel_loop3A_134, %parallel_loop3A_135] {strides = array<i32>} : memref<8x512xi32, #tpu.memory_space<vmem>>, vector<16xi32>,
        %parallel_loop3A_137 = tpu.vector_load_idx %arg5[%parallel_loop3A_136] : memref<100000xf32, #tpu.memory_space<vmem>>[vector<16xi32>], vector<16xf32>,
        %parallel_loop3A_138 = arith.index_cast %parallel_loop3A_84 : i32 to index
        %parallel_loop3A_139 = arith.constant 112 : index
        %parallel_loop3A_140 = tpu.vector_load %arg9[%parallel_loop3A_138, %parallel_loop3A_139] {strides = array<i32>} : memref<8x512xf32, #tpu.memory_space<vmem>>, vector<16xf32>,
        tpu.vector_store %arg9[%parallel_loop3A_138, %parallel_loop3A_139], %parallel_loop3A_137 {strides = array<i32>} : memref<8x512xf32, #tpu.memory_space<vmem>>, vector<16xf32>,
        %parallel_loop3A_141 = arith.index_cast %parallel_loop3A_84 : i32 to index
        %parallel_loop3A_142 = arith.constant 128 : index
        %parallel_loop3A_143 = tpu.vector_load %arg7[%parallel_loop3A_141, %parallel_loop3A_142] {strides = array<i32>} : memref<8x512xi32, #tpu.memory_space<vmem>>, vector<16xi32>,
        %parallel_loop3A_144 = tpu.vector_load_idx %arg5[%parallel_loop3A_143] : memref<100000xf32, #tpu.memory_space<vmem>>[vector<16xi32>], vector<16xf32>,
        %parallel_loop3A_145 = arith.index_cast %parallel_loop3A_84 : i32 to index
        %parallel_loop3A_146 = arith.constant 128 : index
        %parallel_loop3A_147 = tpu.vector_load %arg9[%parallel_loop3A_145, %parallel_loop3A_146] {strides = array<i32>} : memref<8x512xf32, #tpu.memory_space<vmem>>, vector<16xf32>,
        tpu.vector_store %arg9[%parallel_loop3A_145, %parallel_loop3A_146], %parallel_loop3A_144 {strides = array<i32>} : memref<8x512xf32, #tpu.memory_space<vmem>>, vector<16xf32>,
        %parallel_loop3A_148 = arith.index_cast %parallel_loop3A_84 : i32 to index
        %parallel_loop3A_149 = arith.constant 144 : index
        %parallel_loop3A_150 = tpu.vector_load %arg7[%parallel_loop3A_148, %parallel_loop3A_149] {strides = array<i32>} : memref<8x512xi32, #tpu.memory_space<vmem>>, vector<16xi32>,
        %parallel_loop3A_151 = tpu.vector_load_idx %arg5[%parallel_loop3A_150] : memref<100000xf32, #tpu.memory_space<vmem>>[vector<16xi32>], vector<16xf32>,
        %parallel_loop3A_152 = arith.index_cast %parallel_loop3A_84 : i32 to index
        %parallel_loop3A_153 = arith.constant 144 : index
        %parallel_loop3A_154 = tpu.vector_load %arg9[%parallel_loop3A_152, %parallel_loop3A_153] {strides = array<i32>} : memref<8x512xf32, #tpu.memory_space<vmem>>, vector<16xf32>,
        tpu.vector_store %arg9[%parallel_loop3A_152, %parallel_loop3A_153], %parallel_loop3A_151 {strides = array<i32>} : memref<8x512xf32, #tpu.memory_space<vmem>>, vector<16xf32>,
        %parallel_loop3A_155 = arith.index_cast %parallel_loop3A_84 : i32 to index
        %parallel_loop3A_156 = arith.constant 160 : index
        %parallel_loop3A_157 = tpu.vector_load %arg7[%parallel_loop3A_155, %parallel_loop3A_156] {strides = array<i32>} : memref<8x512xi32, #tpu.memory_space<vmem>>, vector<16xi32>,
        %parallel_loop3A_158 = tpu.vector_load_idx %arg5[%parallel_loop3A_157] : memref<100000xf32, #tpu.memory_space<vmem>>[vector<16xi32>], vector<16xf32>,
        %parallel_loop3A_159 = arith.index_cast %parallel_loop3A_84 : i32 to index
        %parallel_loop3A_160 = arith.constant 160 : index
        %parallel_loop3A_161 = tpu.vector_load %arg9[%parallel_loop3A_159, %parallel_loop3A_160] {strides = array<i32>} : memref<8x512xf32, #tpu.memory_space<vmem>>, vector<16xf32>,
        tpu.vector_store %arg9[%parallel_loop3A_159, %parallel_loop3A_160], %parallel_loop3A_158 {strides = array<i32>} : memref<8x512xf32, #tpu.memory_space<vmem>>, vector<16xf32>,
        %parallel_loop3A_162 = arith.index_cast %parallel_loop3A_84 : i32 to index
        %parallel_loop3A_163 = arith.constant 176 : index
        %parallel_loop3A_164 = tpu.vector_load %arg7[%parallel_loop3A_162, %parallel_loop3A_163] {strides = array<i32>} : memref<8x512xi32, #tpu.memory_space<vmem>>, vector<16xi32>,
        %parallel_loop3A_165 = tpu.vector_load_idx %arg5[%parallel_loop3A_164] : memref<100000xf32, #tpu.memory_space<vmem>>[vector<16xi32>], vector<16xf32>,
        %parallel_loop3A_166 = arith.index_cast %parallel_loop3A_84 : i32 to index
        %parallel_loop3A_167 = arith.constant 176 : index
        %parallel_loop3A_168 = tpu.vector_load %arg9[%parallel_loop3A_166, %parallel_loop3A_167] {strides = array<i32>} : memref<8x512xf32, #tpu.memory_space<vmem>>, vector<16xf32>,
        tpu.vector_store %arg9[%parallel_loop3A_166, %parallel_loop3A_167], %parallel_loop3A_165 {strides = array<i32>} : memref<8x512xf32, #tpu.memory_space<vmem>>, vector<16xf32>,
        %parallel_loop3A_169 = arith.index_cast %parallel_loop3A_84 : i32 to index
        %parallel_loop3A_170 = arith.constant 192 : index
        %parallel_loop3A_171 = tpu.vector_load %arg7[%parallel_loop3A_169, %parallel_loop3A_170] {strides = array<i32>} : memref<8x512xi32, #tpu.memory_space<vmem>>, vector<16xi32>,
        %parallel_loop3A_172 = tpu.vector_load_idx %arg5[%parallel_loop3A_171] : memref<100000xf32, #tpu.memory_space<vmem>>[vector<16xi32>], vector<16xf32>,
        %parallel_loop3A_173 = arith.index_cast %parallel_loop3A_84 : i32 to index
        %parallel_loop3A_174 = arith.constant 192 : index
        %parallel_loop3A_175 = tpu.vector_load %arg9[%parallel_loop3A_173, %parallel_loop3A_174] {strides = array<i32>} : memref<8x512xf32, #tpu.memory_space<vmem>>, vector<16xf32>,
        tpu.vector_store %arg9[%parallel_loop3A_173, %parallel_loop3A_174], %parallel_loop3A_172 {strides = array<i32>} : memref<8x512xf32, #tpu.memory_space<vmem>>, vector<16xf32>,
        %parallel_loop3A_176 = arith.index_cast %parallel_loop3A_84 : i32 to index
        %parallel_loop3A_177 = arith.constant 208 : index
        %parallel_loop3A_178 = tpu.vector_load %arg7[%parallel_loop3A_176, %parallel_loop3A_177] {strides = array<i32>} : memref<8x512xi32, #tpu.memory_space<vmem>>, vector<16xi32>,
        %parallel_loop3A_179 = tpu.vector_load_idx %arg5[%parallel_loop3A_178] : memref<100000xf32, #tpu.memory_space<vmem>>[vector<16xi32>], vector<16xf32>,
        %parallel_loop3A_180 = arith.index_cast %parallel_loop3A_84 : i32 to index
        %parallel_loop3A_181 = arith.constant 208 : index
        %parallel_loop3A_182 = tpu.vector_load %arg9[%parallel_loop3A_180, %parallel_loop3A_181] {strides = array<i32>} : memref<8x512xf32, #tpu.memory_space<vmem>>, vector<16xf32>,
        tpu.vector_store %arg9[%parallel_loop3A_180, %parallel_loop3A_181], %parallel_loop3A_179 {strides = array<i32>} : memref<8x512xf32, #tpu.memory_space<vmem>>, vector<16xf32>,
        %parallel_loop3A_183 = arith.index_cast %parallel_loop3A_84 : i32 to index
        %parallel_loop3A_184 = arith.constant 224 : index
        %parallel_loop3A_185 = tpu.vector_load %arg7[%parallel_loop3A_183, %parallel_loop3A_184] {strides = array<i32>} : memref<8x512xi32, #tpu.memory_space<vmem>>, vector<16xi32>,
        %parallel_loop3A_186 = tpu.vector_load_idx %arg5[%parallel_loop3A_185] : memref<100000xf32, #tpu.memory_space<vmem>>[vector<16xi32>], vector<16xf32>,
        %parallel_loop3A_187 = arith.index_cast %parallel_loop3A_84 : i32 to index
        %parallel_loop3A_188 = arith.constant 224 : index
        %parallel_loop3A_189 = tpu.vector_load %arg9[%parallel_loop3A_187, %parallel_loop3A_188] {strides = array<i32>} : memref<8x512xf32, #tpu.memory_space<vmem>>, vector<16xf32>,
        tpu.vector_store %arg9[%parallel_loop3A_187, %parallel_loop3A_188], %parallel_loop3A_186 {strides = array<i32>} : memref<8x512xf32, #tpu.memory_space<vmem>>, vector<16xf32>,
        %parallel_loop3A_190 = arith.index_cast %parallel_loop3A_84 : i32 to index
        %parallel_loop3A_191 = arith.constant 240 : index
        %parallel_loop3A_192 = tpu.vector_load %arg7[%parallel_loop3A_190, %parallel_loop3A_191] {strides = array<i32>} : memref<8x512xi32, #tpu.memory_space<vmem>>, vector<16xi32>,
        %parallel_loop3A_193 = tpu.vector_load_idx %arg5[%parallel_loop3A_192] : memref<100000xf32, #tpu.memory_space<vmem>>[vector<16xi32>], vector<16xf32>,
        %parallel_loop3A_194 = arith.index_cast %parallel_loop3A_84 : i32 to index
        %parallel_loop3A_195 = arith.constant 240 : index
        %parallel_loop3A_196 = tpu.vector_load %arg9[%parallel_loop3A_194, %parallel_loop3A_195] {strides = array<i32>} : memref<8x512xf32, #tpu.memory_space<vmem>>, vector<16xf32>,
        tpu.vector_store %arg9[%parallel_loop3A_194, %parallel_loop3A_195], %parallel_loop3A_193 {strides = array<i32>} : memref<8x512xf32, #tpu.memory_space<vmem>>, vector<16xf32>,
        %parallel_loop3A_197 = arith.index_cast %parallel_loop3A_84 : i32 to index
        %parallel_loop3A_198 = arith.constant 256 : index
        %parallel_loop3A_199 = tpu.vector_load %arg7[%parallel_loop3A_197, %parallel_loop3A_198] {strides = array<i32>} : memref<8x512xi32, #tpu.memory_space<vmem>>, vector<16xi32>,
        %parallel_loop3A_200 = tpu.vector_load_idx %arg5[%parallel_loop3A_199] : memref<100000xf32, #tpu.memory_space<vmem>>[vector<16xi32>], vector<16xf32>,
        %parallel_loop3A_201 = arith.index_cast %parallel_loop3A_84 : i32 to index
        %parallel_loop3A_202 = arith.constant 256 : index
        %parallel_loop3A_203 = tpu.vector_load %arg9[%parallel_loop3A_201, %parallel_loop3A_202] {strides = array<i32>} : memref<8x512xf32, #tpu.memory_space<vmem>>, vector<16xf32>,
        tpu.vector_store %arg9[%parallel_loop3A_201, %parallel_loop3A_202], %parallel_loop3A_200 {strides = array<i32>} : memref<8x512xf32, #tpu.memory_space<vmem>>, vector<16xf32>,
        %parallel_loop3A_204 = arith.index_cast %parallel_loop3A_84 : i32 to index
        %parallel_loop3A_205 = arith.constant 272 : index
        %parallel_loop3A_206 = tpu.vector_load %arg7[%parallel_loop3A_204, %parallel_loop3A_205] {strides = array<i32>} : memref<8x512xi32, #tpu.memory_space<vmem>>, vector<16xi32>,
        %parallel_loop3A_207 = tpu.vector_load_idx %arg5[%parallel_loop3A_206] : memref<100000xf32, #tpu.memory_space<vmem>>[vector<16xi32>], vector<16xf32>,
        %parallel_loop3A_208 = arith.index_cast %parallel_loop3A_84 : i32 to index
        %parallel_loop3A_209 = arith.constant 272 : index
        %parallel_loop3A_210 = tpu.vector_load %arg9[%parallel_loop3A_208, %parallel_loop3A_209] {strides = array<i32>} : memref<8x512xf32, #tpu.memory_space<vmem>>, vector<16xf32>,
        tpu.vector_store %arg9[%parallel_loop3A_208, %parallel_loop3A_209], %parallel_loop3A_207 {strides = array<i32>} : memref<8x512xf32, #tpu.memory_space<vmem>>, vector<16xf32>,
        %parallel_loop3A_211 = arith.index_cast %parallel_loop3A_84 : i32 to index
        %parallel_loop3A_212 = arith.constant 288 : index
        %parallel_loop3A_213 = tpu.vector_load %arg7[%parallel_loop3A_211, %parallel_loop3A_212] {strides = array<i32>} : memref<8x512xi32, #tpu.memory_space<vmem>>, vector<16xi32>,
        %parallel_loop3A_214 = tpu.vector_load_idx %arg5[%parallel_loop3A_213] : memref<100000xf32, #tpu.memory_space<vmem>>[vector<16xi32>], vector<16xf32>,
        %parallel_loop3A_215 = arith.index_cast %parallel_loop3A_84 : i32 to index
        %parallel_loop3A_216 = arith.constant 288 : index
        %parallel_loop3A_217 = tpu.vector_load %arg9[%parallel_loop3A_215, %parallel_loop3A_216] {strides = array<i32>} : memref<8x512xf32, #tpu.memory_space<vmem>>, vector<16xf32>,
        tpu.vector_store %arg9[%parallel_loop3A_215, %parallel_loop3A_216], %parallel_loop3A_214 {strides = array<i32>} : memref<8x512xf32, #tpu.memory_space<vmem>>, vector<16xf32>,
        %parallel_loop3A_218 = arith.index_cast %parallel_loop3A_84 : i32 to index
        %parallel_loop3A_219 = arith.constant 304 : index
        %parallel_loop3A_220 = tpu.vector_load %arg7[%parallel_loop3A_218, %parallel_loop3A_219] {strides = array<i32>} : memref<8x512xi32, #tpu.memory_space<vmem>>, vector<16xi32>,
        %parallel_loop3A_221 = tpu.vector_load_idx %arg5[%parallel_loop3A_220] : memref<100000xf32, #tpu.memory_space<vmem>>[vector<16xi32>], vector<16xf32>,
        %parallel_loop3A_222 = arith.index_cast %parallel_loop3A_84 : i32 to index
        %parallel_loop3A_223 = arith.constant 304 : index
        %parallel_loop3A_224 = tpu.vector_load %arg9[%parallel_loop3A_222, %parallel_loop3A_223] {strides = array<i32>} : memref<8x512xf32, #tpu.memory_space<vmem>>, vector<16xf32>,
        tpu.vector_store %arg9[%parallel_loop3A_222, %parallel_loop3A_223], %parallel_loop3A_221 {strides = array<i32>} : memref<8x512xf32, #tpu.memory_space<vmem>>, vector<16xf32>,
        %parallel_loop3A_225 = arith.index_cast %parallel_loop3A_84 : i32 to index
        %parallel_loop3A_226 = arith.constant 320 : index
        %parallel_loop3A_227 = tpu.vector_load %arg7[%parallel_loop3A_225, %parallel_loop3A_226] {strides = array<i32>} : memref<8x512xi32, #tpu.memory_space<vmem>>, vector<16xi32>,
        %parallel_loop3A_228 = tpu.vector_load_idx %arg5[%parallel_loop3A_227] : memref<100000xf32, #tpu.memory_space<vmem>>[vector<16xi32>], vector<16xf32>,
        %parallel_loop3A_229 = arith.index_cast %parallel_loop3A_84 : i32 to index
        %parallel_loop3A_230 = arith.constant 320 : index
        %parallel_loop3A_231 = tpu.vector_load %arg9[%parallel_loop3A_229, %parallel_loop3A_230] {strides = array<i32>} : memref<8x512xf32, #tpu.memory_space<vmem>>, vector<16xf32>,
        tpu.vector_store %arg9[%parallel_loop3A_229, %parallel_loop3A_230], %parallel_loop3A_228 {strides = array<i32>} : memref<8x512xf32, #tpu.memory_space<vmem>>, vector<16xf32>,
        %parallel_loop3A_232 = arith.index_cast %parallel_loop3A_84 : i32 to index
        %parallel_loop3A_233 = arith.constant 336 : index
        %parallel_loop3A_234 = tpu.vector_load %arg7[%parallel_loop3A_232, %parallel_loop3A_233] {strides = array<i32>} : memref<8x512xi32, #tpu.memory_space<vmem>>, vector<16xi32>,
        %parallel_loop3A_235 = tpu.vector_load_idx %arg5[%parallel_loop3A_234] : memref<100000xf32, #tpu.memory_space<vmem>>[vector<16xi32>], vector<16xf32>,
        %parallel_loop3A_236 = arith.index_cast %parallel_loop3A_84 : i32 to index
        %parallel_loop3A_237 = arith.constant 336 : index
        %parallel_loop3A_238 = tpu.vector_load %arg9[%parallel_loop3A_236, %parallel_loop3A_237] {strides = array<i32>} : memref<8x512xf32, #tpu.memory_space<vmem>>, vector<16xf32>,
        tpu.vector_store %arg9[%parallel_loop3A_236, %parallel_loop3A_237], %parallel_loop3A_235 {strides = array<i32>} : memref<8x512xf32, #tpu.memory_space<vmem>>, vector<16xf32>,
        %parallel_loop3A_239 = arith.index_cast %parallel_loop3A_84 : i32 to index
        %parallel_loop3A_240 = arith.constant 352 : index
        %parallel_loop3A_241 = tpu.vector_load %arg7[%parallel_loop3A_239, %parallel_loop3A_240] {strides = array<i32>} : memref<8x512xi32, #tpu.memory_space<vmem>>, vector<16xi32>,
        %parallel_loop3A_242 = tpu.vector_load_idx %arg5[%parallel_loop3A_241] : memref<100000xf32, #tpu.memory_space<vmem>>[vector<16xi32>], vector<16xf32>,
        %parallel_loop3A_243 = arith.index_cast %parallel_loop3A_84 : i32 to index
        %parallel_loop3A_244 = arith.constant 352 : index
        %parallel_loop3A_245 = tpu.vector_load %arg9[%parallel_loop3A_243, %parallel_loop3A_244] {strides = array<i32>} : memref<8x512xf32, #tpu.memory_space<vmem>>, vector<16xf32>,
        tpu.vector_store %arg9[%parallel_loop3A_243, %parallel_loop3A_244], %parallel_loop3A_242 {strides = array<i32>} : memref<8x512xf32, #tpu.memory_space<vmem>>, vector<16xf32>,
        %parallel_loop3A_246 = arith.index_cast %parallel_loop3A_84 : i32 to index
        %parallel_loop3A_247 = arith.constant 368 : index
        %parallel_loop3A_248 = tpu.vector_load %arg7[%parallel_loop3A_246, %parallel_loop3A_247] {strides = array<i32>} : memref<8x512xi32, #tpu.memory_space<vmem>>, vector<16xi32>,
        %parallel_loop3A_249 = tpu.vector_load_idx %arg5[%parallel_loop3A_248] : memref<100000xf32, #tpu.memory_space<vmem>>[vector<16xi32>], vector<16xf32>,
        %parallel_loop3A_250 = arith.index_cast %parallel_loop3A_84 : i32 to index
        %parallel_loop3A_251 = arith.constant 368 : index
        %parallel_loop3A_252 = tpu.vector_load %arg9[%parallel_loop3A_250, %parallel_loop3A_251] {strides = array<i32>} : memref<8x512xf32, #tpu.memory_space<vmem>>, vector<16xf32>,
        tpu.vector_store %arg9[%parallel_loop3A_250, %parallel_loop3A_251], %parallel_loop3A_249 {strides = array<i32>} : memref<8x512xf32, #tpu.memory_space<vmem>>, vector<16xf32>,
        %parallel_loop3A_253 = arith.index_cast %parallel_loop3A_84 : i32 to index
        %parallel_loop3A_254 = arith.constant 384 : index
        %parallel_loop3A_255 = tpu.vector_load %arg7[%parallel_loop3A_253, %parallel_loop3A_254] {strides = array<i32>} : memref<8x512xi32, #tpu.memory_space<vmem>>, vector<16xi32>,
        %parallel_loop3A_256 = tpu.vector_load_idx %arg5[%parallel_loop3A_255] : memref<100000xf32, #tpu.memory_space<vmem>>[vector<16xi32>], vector<16xf32>,
        %parallel_loop3A_257 = arith.index_cast %parallel_loop3A_84 : i32 to index
        %parallel_loop3A_258 = arith.constant 384 : index
        %parallel_loop3A_259 = tpu.vector_load %arg9[%parallel_loop3A_257, %parallel_loop3A_258] {strides = array<i32>} : memref<8x512xf32, #tpu.memory_space<vmem>>, vector<16xf32>,
        tpu.vector_store %arg9[%parallel_loop3A_257, %parallel_loop3A_258], %parallel_loop3A_256 {strides = array<i32>} : memref<8x512xf32, #tpu.memory_space<vmem>>, vector<16xf32>,
        %parallel_loop3A_260 = arith.index_cast %parallel_loop3A_84 : i32 to index
        %parallel_loop3A_261 = arith.constant 400 : index
        %parallel_loop3A_262 = tpu.vector_load %arg7[%parallel_loop3A_260, %parallel_loop3A_261] {strides = array<i32>} : memref<8x512xi32, #tpu.memory_space<vmem>>, vector<16xi32>,
        %parallel_loop3A_263 = tpu.vector_load_idx %arg5[%parallel_loop3A_262] : memref<100000xf32, #tpu.memory_space<vmem>>[vector<16xi32>], vector<16xf32>,
        %parallel_loop3A_264 = arith.index_cast %parallel_loop3A_84 : i32 to index
        %parallel_loop3A_265 = arith.constant 400 : index
        %parallel_loop3A_266 = tpu.vector_load %arg9[%parallel_loop3A_264, %parallel_loop3A_265] {strides = array<i32>} : memref<8x512xf32, #tpu.memory_space<vmem>>, vector<16xf32>,
        tpu.vector_store %arg9[%parallel_loop3A_264, %parallel_loop3A_265], %parallel_loop3A_263 {strides = array<i32>} : memref<8x512xf32, #tpu.memory_space<vmem>>, vector<16xf32>,
        %parallel_loop3A_267 = arith.index_cast %parallel_loop3A_84 : i32 to index
        %parallel_loop3A_268 = arith.constant 416 : index
        %parallel_loop3A_269 = tpu.vector_load %arg7[%parallel_loop3A_267, %parallel_loop3A_268] {strides = array<i32>} : memref<8x512xi32, #tpu.memory_space<vmem>>, vector<16xi32>,
        %parallel_loop3A_270 = tpu.vector_load_idx %arg5[%parallel_loop3A_269] : memref<100000xf32, #tpu.memory_space<vmem>>[vector<16xi32>], vector<16xf32>,
        %parallel_loop3A_271 = arith.index_cast %parallel_loop3A_84 : i32 to index
        %parallel_loop3A_272 = arith.constant 416 : index
        %parallel_loop3A_273 = tpu.vector_load %arg9[%parallel_loop3A_271, %parallel_loop3A_272] {strides = array<i32>} : memref<8x512xf32, #tpu.memory_space<vmem>>, vector<16xf32>,
        tpu.vector_store %arg9[%parallel_loop3A_271, %parallel_loop3A_272], %parallel_loop3A_270 {strides = array<i32>} : memref<8x512xf32, #tpu.memory_space<vmem>>, vector<16xf32>,
        %parallel_loop3A_274 = arith.index_cast %parallel_loop3A_84 : i32 to index
        %parallel_loop3A_275 = arith.constant 432 : index
        %parallel_loop3A_276 = tpu.vector_load %arg7[%parallel_loop3A_274, %parallel_loop3A_275] {strides = array<i32>} : memref<8x512xi32, #tpu.memory_space<vmem>>, vector<16xi32>,
        %parallel_loop3A_277 = tpu.vector_load_idx %arg5[%parallel_loop3A_276] : memref<100000xf32, #tpu.memory_space<vmem>>[vector<16xi32>], vector<16xf32>,
        %parallel_loop3A_278 = arith.index_cast %parallel_loop3A_84 : i32 to index
        %parallel_loop3A_279 = arith.constant 432 : index
        %parallel_loop3A_280 = tpu.vector_load %arg9[%parallel_loop3A_278, %parallel_loop3A_279] {strides = array<i32>} : memref<8x512xf32, #tpu.memory_space<vmem>>, vector<16xf32>,
        tpu.vector_store %arg9[%parallel_loop3A_278, %parallel_loop3A_279], %parallel_loop3A_277 {strides = array<i32>} : memref<8x512xf32, #tpu.memory_space<vmem>>, vector<16xf32>,
        %parallel_loop3A_281 = arith.index_cast %parallel_loop3A_84 : i32 to index
        %parallel_loop3A_282 = arith.constant 448 : index
        %parallel_loop3A_283 = tpu.vector_load %arg7[%parallel_loop3A_281, %parallel_loop3A_282] {strides = array<i32>} : memref<8x512xi32, #tpu.memory_space<vmem>>, vector<16xi32>,
        %parallel_loop3A_284 = tpu.vector_load_idx %arg5[%parallel_loop3A_283] : memref<100000xf32, #tpu.memory_space<vmem>>[vector<16xi32>], vector<16xf32>,
        %parallel_loop3A_285 = arith.index_cast %parallel_loop3A_84 : i32 to index
        %parallel_loop3A_286 = arith.constant 448 : index
        %parallel_loop3A_287 = tpu.vector_load %arg9[%parallel_loop3A_285, %parallel_loop3A_286] {strides = array<i32>} : memref<8x512xf32, #tpu.memory_space<vmem>>, vector<16xf32>,
        tpu.vector_store %arg9[%parallel_loop3A_285, %parallel_loop3A_286], %parallel_loop3A_284 {strides = array<i32>} : memref<8x512xf32, #tpu.memory_space<vmem>>, vector<16xf32>,
        %parallel_loop3A_288 = arith.index_cast %parallel_loop3A_84 : i32 to index
        %parallel_loop3A_289 = arith.constant 464 : index
        %parallel_loop3A_290 = tpu.vector_load %arg7[%parallel_loop3A_288, %parallel_loop3A_289] {strides = array<i32>} : memref<8x512xi32, #tpu.memory_space<vmem>>, vector<16xi32>,
        %parallel_loop3A_291 = tpu.vector_load_idx %arg5[%parallel_loop3A_290] : memref<100000xf32, #tpu.memory_space<vmem>>[vector<16xi32>], vector<16xf32>,
        %parallel_loop3A_292 = arith.index_cast %parallel_loop3A_84 : i32 to index
        %parallel_loop3A_293 = arith.constant 464 : index
        %parallel_loop3A_294 = tpu.vector_load %arg9[%parallel_loop3A_292, %parallel_loop3A_293] {strides = array<i32>} : memref<8x512xf32, #tpu.memory_space<vmem>>, vector<16xf32>,
        tpu.vector_store %arg9[%parallel_loop3A_292, %parallel_loop3A_293], %parallel_loop3A_291 {strides = array<i32>} : memref<8x512xf32, #tpu.memory_space<vmem>>, vector<16xf32>,
        %parallel_loop3A_295 = arith.index_cast %parallel_loop3A_84 : i32 to index
        %parallel_loop3A_296 = arith.constant 480 : index
        %parallel_loop3A_297 = tpu.vector_load %arg7[%parallel_loop3A_295, %parallel_loop3A_296] {strides = array<i32>} : memref<8x512xi32, #tpu.memory_space<vmem>>, vector<16xi32>,
        %parallel_loop3A_298 = tpu.vector_load_idx %arg5[%parallel_loop3A_297] : memref<100000xf32, #tpu.memory_space<vmem>>[vector<16xi32>], vector<16xf32>,
        %parallel_loop3A_299 = arith.index_cast %parallel_loop3A_84 : i32 to index
        %parallel_loop3A_300 = arith.constant 480 : index
        %parallel_loop3A_301 = tpu.vector_load %arg9[%parallel_loop3A_299, %parallel_loop3A_300] {strides = array<i32>} : memref<8x512xf32, #tpu.memory_space<vmem>>, vector<16xf32>,
        tpu.vector_store %arg9[%parallel_loop3A_299, %parallel_loop3A_300], %parallel_loop3A_298 {strides = array<i32>} : memref<8x512xf32, #tpu.memory_space<vmem>>, vector<16xf32>,
        %parallel_loop3A_302 = arith.index_cast %parallel_loop3A_84 : i32 to index
        %parallel_loop3A_303 = arith.constant 496 : index
        %parallel_loop3A_304 = tpu.vector_load %arg7[%parallel_loop3A_302, %parallel_loop3A_303] {strides = array<i32>} : memref<8x512xi32, #tpu.memory_space<vmem>>, vector<16xi32>,
        %parallel_loop3A_305 = tpu.vector_load_idx %arg5[%parallel_loop3A_304] : memref<100000xf32, #tpu.memory_space<vmem>>[vector<16xi32>], vector<16xf32>,
        %parallel_loop3A_306 = arith.index_cast %parallel_loop3A_84 : i32 to index
        %parallel_loop3A_307 = arith.constant 496 : index
        %parallel_loop3A_308 = tpu.vector_load %arg9[%parallel_loop3A_306, %parallel_loop3A_307] {strides = array<i32>} : memref<8x512xf32, #tpu.memory_space<vmem>>, vector<16xf32>,
        tpu.vector_store %arg9[%parallel_loop3A_306, %parallel_loop3A_307], %parallel_loop3A_305 {strides = array<i32>} : memref<8x512xf32, #tpu.memory_space<vmem>>, vector<16xf32>,
      } {sc.loop_unroll_factor = 4 : i64, sc.parallel_access}
      %mul3A_76 = arith.constant 8 : i32
      %mul3A_77 = arith.muli %add3A_63, %mul3A_76 : i32
      %dma_start3A_78 = tpu.memref_slice %arg4[%mul3A_77, %mul3A_2] : memref<200x16384xf32, #tpu.memory_space<hbm>> -> memref<8x512xf32, #tpu.memory_space<hbm>>
      %dma_start3A_79 = tpu.memref_slice %arg4[%mul3A_77, %mul3A_2] : memref<200x16384xf32, #tpu.memory_space<hbm>> -> memref<8x512xf32, #tpu.memory_space<hbm>>
      tpu.enqueue_dma source(%arg9 : memref<8x512xf32, #tpu.memory_space<vmem>>) target(%dma_start3A_79 : memref<8x512xf32, #tpu.memory_space<hbm>>) target_semaphore(%arg14 : memref<!tpu.dma_semaphore, #tpu.memory_space<semaphore_mem>>)
      %le3A = arith.constant 10 : i32
      %le3A_80 = arith.cmpi sle, %scan3A_36, %le3A : i32
      %convert_element_type3A_81 = arith.extui %le3A_80 : i1 to i32
      %cond3A_82 = arith.constant 0 : i32
      %cond3A_83 = arith.cmpi ne, %convert_element_type3A_81, %cond3A_82 : i32
      scf.if %cond3A_83 {
        %add3A_84 = arith.constant 2 : i32
        %add3A_85 = arith.addi %add3A_63, %add3A_84 : i32
        %mul3A_86 = arith.constant 8 : i32
        %mul3A_87 = arith.muli %add3A_85, %mul3A_86 : i32
        %dma_start3A_88 = tpu.memref_slice %arg2[%mul3A_87, %mul3A_2] : memref<200x16384xi32, #tpu.memory_space<hbm>> -> memref<8x512xi32, #tpu.memory_space<hbm>>
        %dma_start3A_89 = tpu.memref_slice %arg2[%mul3A_87, %mul3A_2] : memref<200x16384xi32, #tpu.memory_space<hbm>> -> memref<8x512xi32, #tpu.memory_space<hbm>>
        tpu.enqueue_dma source(%dma_start3A_89 : memref<8x512xi32, #tpu.memory_space<hbm>>) target(%arg7 : memref<8x512xi32, #tpu.memory_space<vmem>>) target_semaphore(%arg12 : memref<!tpu.dma_semaphore, #tpu.memory_space<semaphore_mem>>)
      } else {
      }
    }
    %scan3A_14 = arith.constant 12 : i32
    %dma_wait3A = arith.constant 192 : i32
    %dma_wait3A_15 = tpu.memref_slice %arg2[%dma_wait3A, %mul3A_2] : memref<200x16384xi32, #tpu.memory_space<hbm>> -> memref<8x512xi32, #tpu.memory_space<hbm>>
    %dma_wait3A_16 = arith.constant 192 : i32
    %dma_wait3A_17 = tpu.memref_slice %arg2[%dma_wait3A_16, %mul3A_2] : memref<200x16384xi32, #tpu.memory_space<hbm>> -> memref<8x512xi32, #tpu.memory_space<hbm>>
    tpu.wait_dma2 semaphore(%arg11 : memref<!tpu.dma_semaphore, #tpu.memory_space<semaphore_mem>>) src(%dma_wait3A_17 : memref<8x512xi32, #tpu.memory_space<hbm>>) dst(%arg6 : memref<8x512xi32, #tpu.memory_space<vmem>>)
    %dma_wait3A_18 = arith.constant 176 : i32
    %dma_wait3A_19 = tpu.memref_slice %arg4[%dma_wait3A_18, %mul3A_2] : memref<200x16384xf32, #tpu.memory_space<hbm>> -> memref<8x512xf32, #tpu.memory_space<hbm>>
    %dma_wait3A_20 = arith.constant 176 : i32
    %dma_wait3A_21 = tpu.memref_slice %arg4[%dma_wait3A_20, %mul3A_2] : memref<200x16384xf32, #tpu.memory_space<hbm>> -> memref<8x512xf32, #tpu.memory_space<hbm>>
    tpu.wait_dma2 semaphore(%arg13 : memref<!tpu.dma_semaphore, #tpu.memory_space<semaphore_mem>>) src(%arg8 : memref<8x512xf32, #tpu.memory_space<vmem>>) dst(%dma_wait3A_21 : memref<8x512xf32, #tpu.memory_space<hbm>>)
    %parallel_loop3A = arith.constant 0 : i32
    %parallel_loop3A_22 = arith.constant 8 : i32
    %parallel_loop3A_23 = arith.constant 1 : i32
    scf.for %parallel_loop3A_36 = %parallel_loop3A to %parallel_loop3A_22 step %parallel_loop3A_23  : i32 {
      %parallel_loop3A_37 = arith.index_cast %parallel_loop3A_36 : i32 to index
      %parallel_loop3A_38 = arith.constant 0 : index
      %parallel_loop3A_39 = tpu.vector_load %arg6[%parallel_loop3A_37, %parallel_loop3A_38] {strides = array<i32>} : memref<8x512xi32, #tpu.memory_space<vmem>>, vector<16xi32>,
      %parallel_loop3A_40 = tpu.vector_load_idx %arg5[%parallel_loop3A_39] : memref<100000xf32, #tpu.memory_space<vmem>>[vector<16xi32>], vector<16xf32>,
      %parallel_loop3A_41 = arith.index_cast %parallel_loop3A_36 : i32 to index
      %parallel_loop3A_42 = arith.constant 0 : index
      %parallel_loop3A_43 = tpu.vector_load %arg8[%parallel_loop3A_41, %parallel_loop3A_42] {strides = array<i32>} : memref<8x512xf32, #tpu.memory_space<vmem>>, vector<16xf32>,
      tpu.vector_store %arg8[%parallel_loop3A_41, %parallel_loop3A_42], %parallel_loop3A_40 {strides = array<i32>} : memref<8x512xf32, #tpu.memory_space<vmem>>, vector<16xf32>,
      %parallel_loop3A_44 = arith.index_cast %parallel_loop3A_36 : i32 to index
      %parallel_loop3A_45 = arith.constant 16 : index
      %parallel_loop3A_46 = tpu.vector_load %arg6[%parallel_loop3A_44, %parallel_loop3A_45] {strides = array<i32>} : memref<8x512xi32, #tpu.memory_space<vmem>>, vector<16xi32>,
      %parallel_loop3A_47 = tpu.vector_load_idx %arg5[%parallel_loop3A_46] : memref<100000xf32, #tpu.memory_space<vmem>>[vector<16xi32>], vector<16xf32>,
      %parallel_loop3A_48 = arith.index_cast %parallel_loop3A_36 : i32 to index
      %parallel_loop3A_49 = arith.constant 16 : index
      %parallel_loop3A_50 = tpu.vector_load %arg8[%parallel_loop3A_48, %parallel_loop3A_49] {strides = array<i32>} : memref<8x512xf32, #tpu.memory_space<vmem>>, vector<16xf32>,
      tpu.vector_store %arg8[%parallel_loop3A_48, %parallel_loop3A_49], %parallel_loop3A_47 {strides = array<i32>} : memref<8x512xf32, #tpu.memory_space<vmem>>, vector<16xf32>,
      %parallel_loop3A_51 = arith.index_cast %parallel_loop3A_36 : i32 to index
      %parallel_loop3A_52 = arith.constant 32 : index
      %parallel_loop3A_53 = tpu.vector_load %arg6[%parallel_loop3A_51, %parallel_loop3A_52] {strides = array<i32>} : memref<8x512xi32, #tpu.memory_space<vmem>>, vector<16xi32>,
      %parallel_loop3A_54 = tpu.vector_load_idx %arg5[%parallel_loop3A_53] : memref<100000xf32, #tpu.memory_space<vmem>>[vector<16xi32>], vector<16xf32>,
      %parallel_loop3A_55 = arith.index_cast %parallel_loop3A_36 : i32 to index
      %parallel_loop3A_56 = arith.constant 32 : index
      %parallel_loop3A_57 = tpu.vector_load %arg8[%parallel_loop3A_55, %parallel_loop3A_56] {strides = array<i32>} : memref<8x512xf32, #tpu.memory_space<vmem>>, vector<16xf32>,
      tpu.vector_store %arg8[%parallel_loop3A_55, %parallel_loop3A_56], %parallel_loop3A_54 {strides = array<i32>} : memref<8x512xf32, #tpu.memory_space<vmem>>, vector<16xf32>,
      %parallel_loop3A_58 = arith.index_cast %parallel_loop3A_36 : i32 to index
      %parallel_loop3A_59 = arith.constant 48 : index
      %parallel_loop3A_60 = tpu.vector_load %arg6[%parallel_loop3A_58, %parallel_loop3A_59] {strides = array<i32>} : memref<8x512xi32, #tpu.memory_space<vmem>>, vector<16xi32>,
      %parallel_loop3A_61 = tpu.vector_load_idx %arg5[%parallel_loop3A_60] : memref<100000xf32, #tpu.memory_space<vmem>>[vector<16xi32>], vector<16xf32>,
      %parallel_loop3A_62 = arith.index_cast %parallel_loop3A_36 : i32 to index
      %parallel_loop3A_63 = arith.constant 48 : index
      %parallel_loop3A_64 = tpu.vector_load %arg8[%parallel_loop3A_62, %parallel_loop3A_63] {strides = array<i32>} : memref<8x512xf32, #tpu.memory_space<vmem>>, vector<16xf32>,
      tpu.vector_store %arg8[%parallel_loop3A_62, %parallel_loop3A_63], %parallel_loop3A_61 {strides = array<i32>} : memref<8x512xf32, #tpu.memory_space<vmem>>, vector<16xf32>,
      %parallel_loop3A_65 = arith.index_cast %parallel_loop3A_36 : i32 to index
      %parallel_loop3A_66 = arith.constant 64 : index
      %parallel_loop3A_67 = tpu.vector_load %arg6[%parallel_loop3A_65, %parallel_loop3A_66] {strides = array<i32>} : memref<8x512xi32, #tpu.memory_space<vmem>>, vector<16xi32>,
      %parallel_loop3A_68 = tpu.vector_load_idx %arg5[%parallel_loop3A_67] : memref<100000xf32, #tpu.memory_space<vmem>>[vector<16xi32>], vector<16xf32>,
      %parallel_loop3A_69 = arith.index_cast %parallel_loop3A_36 : i32 to index
      %parallel_loop3A_70 = arith.constant 64 : index
      %parallel_loop3A_71 = tpu.vector_load %arg8[%parallel_loop3A_69, %parallel_loop3A_70] {strides = array<i32>} : memref<8x512xf32, #tpu.memory_space<vmem>>, vector<16xf32>,
      tpu.vector_store %arg8[%parallel_loop3A_69, %parallel_loop3A_70], %parallel_loop3A_68 {strides = array<i32>} : memref<8x512xf32, #tpu.memory_space<vmem>>, vector<16xf32>,
      %parallel_loop3A_72 = arith.index_cast %parallel_loop3A_36 : i32 to index
      %parallel_loop3A_73 = arith.constant 80 : index
      %parallel_loop3A_74 = tpu.vector_load %arg6[%parallel_loop3A_72, %parallel_loop3A_73] {strides = array<i32>} : memref<8x512xi32, #tpu.memory_space<vmem>>, vector<16xi32>,
      %parallel_loop3A_75 = tpu.vector_load_idx %arg5[%parallel_loop3A_74] : memref<100000xf32, #tpu.memory_space<vmem>>[vector<16xi32>], vector<16xf32>,
      %parallel_loop3A_76 = arith.index_cast %parallel_loop3A_36 : i32 to index
      %parallel_loop3A_77 = arith.constant 80 : index
      %parallel_loop3A_78 = tpu.vector_load %arg8[%parallel_loop3A_76, %parallel_loop3A_77] {strides = array<i32>} : memref<8x512xf32, #tpu.memory_space<vmem>>, vector<16xf32>,
      tpu.vector_store %arg8[%parallel_loop3A_76, %parallel_loop3A_77], %parallel_loop3A_75 {strides = array<i32>} : memref<8x512xf32, #tpu.memory_space<vmem>>, vector<16xf32>,
      %parallel_loop3A_79 = arith.index_cast %parallel_loop3A_36 : i32 to index
      %parallel_loop3A_80 = arith.constant 96 : index
      %parallel_loop3A_81 = tpu.vector_load %arg6[%parallel_loop3A_79, %parallel_loop3A_80] {strides = array<i32>} : memref<8x512xi32, #tpu.memory_space<vmem>>, vector<16xi32>,
      %parallel_loop3A_82 = tpu.vector_load_idx %arg5[%parallel_loop3A_81] : memref<100000xf32, #tpu.memory_space<vmem>>[vector<16xi32>], vector<16xf32>,
      %parallel_loop3A_83 = arith.index_cast %parallel_loop3A_36 : i32 to index
      %parallel_loop3A_84 = arith.constant 96 : index
      %parallel_loop3A_85 = tpu.vector_load %arg8[%parallel_loop3A_83, %parallel_loop3A_84] {strides = array<i32>} : memref<8x512xf32, #tpu.memory_space<vmem>>, vector<16xf32>,
      tpu.vector_store %arg8[%parallel_loop3A_83, %parallel_loop3A_84], %parallel_loop3A_82 {strides = array<i32>} : memref<8x512xf32, #tpu.memory_space<vmem>>, vector<16xf32>,
      %parallel_loop3A_86 = arith.index_cast %parallel_loop3A_36 : i32 to index
      %parallel_loop3A_87 = arith.constant 112 : index
      %parallel_loop3A_88 = tpu.vector_load %arg6[%parallel_loop3A_86, %parallel_loop3A_87] {strides = array<i32>} : memref<8x512xi32, #tpu.memory_space<vmem>>, vector<16xi32>,
      %parallel_loop3A_89 = tpu.vector_load_idx %arg5[%parallel_loop3A_88] : memref<100000xf32, #tpu.memory_space<vmem>>[vector<16xi32>], vector<16xf32>,
      %parallel_loop3A_90 = arith.index_cast %parallel_loop3A_36 : i32 to index
      %parallel_loop3A_91 = arith.constant 112 : index
      %parallel_loop3A_92 = tpu.vector_load %arg8[%parallel_loop3A_90, %parallel_loop3A_91] {strides = array<i32>} : memref<8x512xf32, #tpu.memory_space<vmem>>, vector<16xf32>,
      tpu.vector_store %arg8[%parallel_loop3A_90, %parallel_loop3A_91], %parallel_loop3A_89 {strides = array<i32>} : memref<8x512xf32, #tpu.memory_space<vmem>>, vector<16xf32>,
      %parallel_loop3A_93 = arith.index_cast %parallel_loop3A_36 : i32 to index
      %parallel_loop3A_94 = arith.constant 128 : index
      %parallel_loop3A_95 = tpu.vector_load %arg6[%parallel_loop3A_93, %parallel_loop3A_94] {strides = array<i32>} : memref<8x512xi32, #tpu.memory_space<vmem>>, vector<16xi32>,
      %parallel_loop3A_96 = tpu.vector_load_idx %arg5[%parallel_loop3A_95] : memref<100000xf32, #tpu.memory_space<vmem>>[vector<16xi32>], vector<16xf32>,
      %parallel_loop3A_97 = arith.index_cast %parallel_loop3A_36 : i32 to index
      %parallel_loop3A_98 = arith.constant 128 : index
      %parallel_loop3A_99 = tpu.vector_load %arg8[%parallel_loop3A_97, %parallel_loop3A_98] {strides = array<i32>} : memref<8x512xf32, #tpu.memory_space<vmem>>, vector<16xf32>,
      tpu.vector_store %arg8[%parallel_loop3A_97, %parallel_loop3A_98], %parallel_loop3A_96 {strides = array<i32>} : memref<8x512xf32, #tpu.memory_space<vmem>>, vector<16xf32>,
      %parallel_loop3A_100 = arith.index_cast %parallel_loop3A_36 : i32 to index
      %parallel_loop3A_101 = arith.constant 144 : index
      %parallel_loop3A_102 = tpu.vector_load %arg6[%parallel_loop3A_100, %parallel_loop3A_101] {strides = array<i32>} : memref<8x512xi32, #tpu.memory_space<vmem>>, vector<16xi32>,
      %parallel_loop3A_103 = tpu.vector_load_idx %arg5[%parallel_loop3A_102] : memref<100000xf32, #tpu.memory_space<vmem>>[vector<16xi32>], vector<16xf32>,
      %parallel_loop3A_104 = arith.index_cast %parallel_loop3A_36 : i32 to index
      %parallel_loop3A_105 = arith.constant 144 : index
      %parallel_loop3A_106 = tpu.vector_load %arg8[%parallel_loop3A_104, %parallel_loop3A_105] {strides = array<i32>} : memref<8x512xf32, #tpu.memory_space<vmem>>, vector<16xf32>,
      tpu.vector_store %arg8[%parallel_loop3A_104, %parallel_loop3A_105], %parallel_loop3A_103 {strides = array<i32>} : memref<8x512xf32, #tpu.memory_space<vmem>>, vector<16xf32>,
      %parallel_loop3A_107 = arith.index_cast %parallel_loop3A_36 : i32 to index
      %parallel_loop3A_108 = arith.constant 160 : index
      %parallel_loop3A_109 = tpu.vector_load %arg6[%parallel_loop3A_107, %parallel_loop3A_108] {strides = array<i32>} : memref<8x512xi32, #tpu.memory_space<vmem>>, vector<16xi32>,
      %parallel_loop3A_110 = tpu.vector_load_idx %arg5[%parallel_loop3A_109] : memref<100000xf32, #tpu.memory_space<vmem>>[vector<16xi32>], vector<16xf32>,
      %parallel_loop3A_111 = arith.index_cast %parallel_loop3A_36 : i32 to index
      %parallel_loop3A_112 = arith.constant 160 : index
      %parallel_loop3A_113 = tpu.vector_load %arg8[%parallel_loop3A_111, %parallel_loop3A_112] {strides = array<i32>} : memref<8x512xf32, #tpu.memory_space<vmem>>, vector<16xf32>,
      tpu.vector_store %arg8[%parallel_loop3A_111, %parallel_loop3A_112], %parallel_loop3A_110 {strides = array<i32>} : memref<8x512xf32, #tpu.memory_space<vmem>>, vector<16xf32>,
      %parallel_loop3A_114 = arith.index_cast %parallel_loop3A_36 : i32 to index
      %parallel_loop3A_115 = arith.constant 176 : index
      %parallel_loop3A_116 = tpu.vector_load %arg6[%parallel_loop3A_114, %parallel_loop3A_115] {strides = array<i32>} : memref<8x512xi32, #tpu.memory_space<vmem>>, vector<16xi32>,
      %parallel_loop3A_117 = tpu.vector_load_idx %arg5[%parallel_loop3A_116] : memref<100000xf32, #tpu.memory_space<vmem>>[vector<16xi32>], vector<16xf32>,
      %parallel_loop3A_118 = arith.index_cast %parallel_loop3A_36 : i32 to index
      %parallel_loop3A_119 = arith.constant 176 : index
      %parallel_loop3A_120 = tpu.vector_load %arg8[%parallel_loop3A_118, %parallel_loop3A_119] {strides = array<i32>} : memref<8x512xf32, #tpu.memory_space<vmem>>, vector<16xf32>,
      tpu.vector_store %arg8[%parallel_loop3A_118, %parallel_loop3A_119], %parallel_loop3A_117 {strides = array<i32>} : memref<8x512xf32, #tpu.memory_space<vmem>>, vector<16xf32>,
      %parallel_loop3A_121 = arith.index_cast %parallel_loop3A_36 : i32 to index
      %parallel_loop3A_122 = arith.constant 192 : index
      %parallel_loop3A_123 = tpu.vector_load %arg6[%parallel_loop3A_121, %parallel_loop3A_122] {strides = array<i32>} : memref<8x512xi32, #tpu.memory_space<vmem>>, vector<16xi32>,
      %parallel_loop3A_124 = tpu.vector_load_idx %arg5[%parallel_loop3A_123] : memref<100000xf32, #tpu.memory_space<vmem>>[vector<16xi32>], vector<16xf32>,
      %parallel_loop3A_125 = arith.index_cast %parallel_loop3A_36 : i32 to index
      %parallel_loop3A_126 = arith.constant 192 : index
      %parallel_loop3A_127 = tpu.vector_load %arg8[%parallel_loop3A_125, %parallel_loop3A_126] {strides = array<i32>} : memref<8x512xf32, #tpu.memory_space<vmem>>, vector<16xf32>,
      tpu.vector_store %arg8[%parallel_loop3A_125, %parallel_loop3A_126], %parallel_loop3A_124 {strides = array<i32>} : memref<8x512xf32, #tpu.memory_space<vmem>>, vector<16xf32>,
      %parallel_loop3A_128 = arith.index_cast %parallel_loop3A_36 : i32 to index
      %parallel_loop3A_129 = arith.constant 208 : index
      %parallel_loop3A_130 = tpu.vector_load %arg6[%parallel_loop3A_128, %parallel_loop3A_129] {strides = array<i32>} : memref<8x512xi32, #tpu.memory_space<vmem>>, vector<16xi32>,
      %parallel_loop3A_131 = tpu.vector_load_idx %arg5[%parallel_loop3A_130] : memref<100000xf32, #tpu.memory_space<vmem>>[vector<16xi32>], vector<16xf32>,
      %parallel_loop3A_132 = arith.index_cast %parallel_loop3A_36 : i32 to index
      %parallel_loop3A_133 = arith.constant 208 : index
      %parallel_loop3A_134 = tpu.vector_load %arg8[%parallel_loop3A_132, %parallel_loop3A_133] {strides = array<i32>} : memref<8x512xf32, #tpu.memory_space<vmem>>, vector<16xf32>,
      tpu.vector_store %arg8[%parallel_loop3A_132, %parallel_loop3A_133], %parallel_loop3A_131 {strides = array<i32>} : memref<8x512xf32, #tpu.memory_space<vmem>>, vector<16xf32>,
      %parallel_loop3A_135 = arith.index_cast %parallel_loop3A_36 : i32 to index
      %parallel_loop3A_136 = arith.constant 224 : index
      %parallel_loop3A_137 = tpu.vector_load %arg6[%parallel_loop3A_135, %parallel_loop3A_136] {strides = array<i32>} : memref<8x512xi32, #tpu.memory_space<vmem>>, vector<16xi32>,
      %parallel_loop3A_138 = tpu.vector_load_idx %arg5[%parallel_loop3A_137] : memref<100000xf32, #tpu.memory_space<vmem>>[vector<16xi32>], vector<16xf32>,
      %parallel_loop3A_139 = arith.index_cast %parallel_loop3A_36 : i32 to index
      %parallel_loop3A_140 = arith.constant 224 : index
      %parallel_loop3A_141 = tpu.vector_load %arg8[%parallel_loop3A_139, %parallel_loop3A_140] {strides = array<i32>} : memref<8x512xf32, #tpu.memory_space<vmem>>, vector<16xf32>,
      tpu.vector_store %arg8[%parallel_loop3A_139, %parallel_loop3A_140], %parallel_loop3A_138 {strides = array<i32>} : memref<8x512xf32, #tpu.memory_space<vmem>>, vector<16xf32>,
      %parallel_loop3A_142 = arith.index_cast %parallel_loop3A_36 : i32 to index
      %parallel_loop3A_143 = arith.constant 240 : index
      %parallel_loop3A_144 = tpu.vector_load %arg6[%parallel_loop3A_142, %parallel_loop3A_143] {strides = array<i32>} : memref<8x512xi32, #tpu.memory_space<vmem>>, vector<16xi32>,
      %parallel_loop3A_145 = tpu.vector_load_idx %arg5[%parallel_loop3A_144] : memref<100000xf32, #tpu.memory_space<vmem>>[vector<16xi32>], vector<16xf32>,
      %parallel_loop3A_146 = arith.index_cast %parallel_loop3A_36 : i32 to index
      %parallel_loop3A_147 = arith.constant 240 : index
      %parallel_loop3A_148 = tpu.vector_load %arg8[%parallel_loop3A_146, %parallel_loop3A_147] {strides = array<i32>} : memref<8x512xf32, #tpu.memory_space<vmem>>, vector<16xf32>,
      tpu.vector_store %arg8[%parallel_loop3A_146, %parallel_loop3A_147], %parallel_loop3A_145 {strides = array<i32>} : memref<8x512xf32, #tpu.memory_space<vmem>>, vector<16xf32>,
      %parallel_loop3A_149 = arith.index_cast %parallel_loop3A_36 : i32 to index
      %parallel_loop3A_150 = arith.constant 256 : index
      %parallel_loop3A_151 = tpu.vector_load %arg6[%parallel_loop3A_149, %parallel_loop3A_150] {strides = array<i32>} : memref<8x512xi32, #tpu.memory_space<vmem>>, vector<16xi32>,
      %parallel_loop3A_152 = tpu.vector_load_idx %arg5[%parallel_loop3A_151] : memref<100000xf32, #tpu.memory_space<vmem>>[vector<16xi32>], vector<16xf32>,
      %parallel_loop3A_153 = arith.index_cast %parallel_loop3A_36 : i32 to index
      %parallel_loop3A_154 = arith.constant 256 : index
      %parallel_loop3A_155 = tpu.vector_load %arg8[%parallel_loop3A_153, %parallel_loop3A_154] {strides = array<i32>} : memref<8x512xf32, #tpu.memory_space<vmem>>, vector<16xf32>,
      tpu.vector_store %arg8[%parallel_loop3A_153, %parallel_loop3A_154], %parallel_loop3A_152 {strides = array<i32>} : memref<8x512xf32, #tpu.memory_space<vmem>>, vector<16xf32>,
      %parallel_loop3A_156 = arith.index_cast %parallel_loop3A_36 : i32 to index
      %parallel_loop3A_157 = arith.constant 272 : index
      %parallel_loop3A_158 = tpu.vector_load %arg6[%parallel_loop3A_156, %parallel_loop3A_157] {strides = array<i32>} : memref<8x512xi32, #tpu.memory_space<vmem>>, vector<16xi32>,
      %parallel_loop3A_159 = tpu.vector_load_idx %arg5[%parallel_loop3A_158] : memref<100000xf32, #tpu.memory_space<vmem>>[vector<16xi32>], vector<16xf32>,
      %parallel_loop3A_160 = arith.index_cast %parallel_loop3A_36 : i32 to index
      %parallel_loop3A_161 = arith.constant 272 : index
      %parallel_loop3A_162 = tpu.vector_load %arg8[%parallel_loop3A_160, %parallel_loop3A_161] {strides = array<i32>} : memref<8x512xf32, #tpu.memory_space<vmem>>, vector<16xf32>,
      tpu.vector_store %arg8[%parallel_loop3A_160, %parallel_loop3A_161], %parallel_loop3A_159 {strides = array<i32>} : memref<8x512xf32, #tpu.memory_space<vmem>>, vector<16xf32>,
      %parallel_loop3A_163 = arith.index_cast %parallel_loop3A_36 : i32 to index
      %parallel_loop3A_164 = arith.constant 288 : index
      %parallel_loop3A_165 = tpu.vector_load %arg6[%parallel_loop3A_163, %parallel_loop3A_164] {strides = array<i32>} : memref<8x512xi32, #tpu.memory_space<vmem>>, vector<16xi32>,
      %parallel_loop3A_166 = tpu.vector_load_idx %arg5[%parallel_loop3A_165] : memref<100000xf32, #tpu.memory_space<vmem>>[vector<16xi32>], vector<16xf32>,
      %parallel_loop3A_167 = arith.index_cast %parallel_loop3A_36 : i32 to index
      %parallel_loop3A_168 = arith.constant 288 : index
      %parallel_loop3A_169 = tpu.vector_load %arg8[%parallel_loop3A_167, %parallel_loop3A_168] {strides = array<i32>} : memref<8x512xf32, #tpu.memory_space<vmem>>, vector<16xf32>,
      tpu.vector_store %arg8[%parallel_loop3A_167, %parallel_loop3A_168], %parallel_loop3A_166 {strides = array<i32>} : memref<8x512xf32, #tpu.memory_space<vmem>>, vector<16xf32>,
      %parallel_loop3A_170 = arith.index_cast %parallel_loop3A_36 : i32 to index
      %parallel_loop3A_171 = arith.constant 304 : index
      %parallel_loop3A_172 = tpu.vector_load %arg6[%parallel_loop3A_170, %parallel_loop3A_171] {strides = array<i32>} : memref<8x512xi32, #tpu.memory_space<vmem>>, vector<16xi32>,
      %parallel_loop3A_173 = tpu.vector_load_idx %arg5[%parallel_loop3A_172] : memref<100000xf32, #tpu.memory_space<vmem>>[vector<16xi32>], vector<16xf32>,
      %parallel_loop3A_174 = arith.index_cast %parallel_loop3A_36 : i32 to index
      %parallel_loop3A_175 = arith.constant 304 : index
      %parallel_loop3A_176 = tpu.vector_load %arg8[%parallel_loop3A_174, %parallel_loop3A_175] {strides = array<i32>} : memref<8x512xf32, #tpu.memory_space<vmem>>, vector<16xf32>,
      tpu.vector_store %arg8[%parallel_loop3A_174, %parallel_loop3A_175], %parallel_loop3A_173 {strides = array<i32>} : memref<8x512xf32, #tpu.memory_space<vmem>>, vector<16xf32>,
      %parallel_loop3A_177 = arith.index_cast %parallel_loop3A_36 : i32 to index
      %parallel_loop3A_178 = arith.constant 320 : index
      %parallel_loop3A_179 = tpu.vector_load %arg6[%parallel_loop3A_177, %parallel_loop3A_178] {strides = array<i32>} : memref<8x512xi32, #tpu.memory_space<vmem>>, vector<16xi32>,
      %parallel_loop3A_180 = tpu.vector_load_idx %arg5[%parallel_loop3A_179] : memref<100000xf32, #tpu.memory_space<vmem>>[vector<16xi32>], vector<16xf32>,
      %parallel_loop3A_181 = arith.index_cast %parallel_loop3A_36 : i32 to index
      %parallel_loop3A_182 = arith.constant 320 : index
      %parallel_loop3A_183 = tpu.vector_load %arg8[%parallel_loop3A_181, %parallel_loop3A_182] {strides = array<i32>} : memref<8x512xf32, #tpu.memory_space<vmem>>, vector<16xf32>,
      tpu.vector_store %arg8[%parallel_loop3A_181, %parallel_loop3A_182], %parallel_loop3A_180 {strides = array<i32>} : memref<8x512xf32, #tpu.memory_space<vmem>>, vector<16xf32>,
      %parallel_loop3A_184 = arith.index_cast %parallel_loop3A_36 : i32 to index
      %parallel_loop3A_185 = arith.constant 336 : index
      %parallel_loop3A_186 = tpu.vector_load %arg6[%parallel_loop3A_184, %parallel_loop3A_185] {strides = array<i32>} : memref<8x512xi32, #tpu.memory_space<vmem>>, vector<16xi32>,
      %parallel_loop3A_187 = tpu.vector_load_idx %arg5[%parallel_loop3A_186] : memref<100000xf32, #tpu.memory_space<vmem>>[vector<16xi32>], vector<16xf32>,
      %parallel_loop3A_188 = arith.index_cast %parallel_loop3A_36 : i32 to index
      %parallel_loop3A_189 = arith.constant 336 : index
      %parallel_loop3A_190 = tpu.vector_load %arg8[%parallel_loop3A_188, %parallel_loop3A_189] {strides = array<i32>} : memref<8x512xf32, #tpu.memory_space<vmem>>, vector<16xf32>,
      tpu.vector_store %arg8[%parallel_loop3A_188, %parallel_loop3A_189], %parallel_loop3A_187 {strides = array<i32>} : memref<8x512xf32, #tpu.memory_space<vmem>>, vector<16xf32>,
      %parallel_loop3A_191 = arith.index_cast %parallel_loop3A_36 : i32 to index
      %parallel_loop3A_192 = arith.constant 352 : index
      %parallel_loop3A_193 = tpu.vector_load %arg6[%parallel_loop3A_191, %parallel_loop3A_192] {strides = array<i32>} : memref<8x512xi32, #tpu.memory_space<vmem>>, vector<16xi32>,
      %parallel_loop3A_194 = tpu.vector_load_idx %arg5[%parallel_loop3A_193] : memref<100000xf32, #tpu.memory_space<vmem>>[vector<16xi32>], vector<16xf32>,
      %parallel_loop3A_195 = arith.index_cast %parallel_loop3A_36 : i32 to index
      %parallel_loop3A_196 = arith.constant 352 : index
      %parallel_loop3A_197 = tpu.vector_load %arg8[%parallel_loop3A_195, %parallel_loop3A_196] {strides = array<i32>} : memref<8x512xf32, #tpu.memory_space<vmem>>, vector<16xf32>,
      tpu.vector_store %arg8[%parallel_loop3A_195, %parallel_loop3A_196], %parallel_loop3A_194 {strides = array<i32>} : memref<8x512xf32, #tpu.memory_space<vmem>>, vector<16xf32>,
      %parallel_loop3A_198 = arith.index_cast %parallel_loop3A_36 : i32 to index
      %parallel_loop3A_199 = arith.constant 368 : index
      %parallel_loop3A_200 = tpu.vector_load %arg6[%parallel_loop3A_198, %parallel_loop3A_199] {strides = array<i32>} : memref<8x512xi32, #tpu.memory_space<vmem>>, vector<16xi32>,
      %parallel_loop3A_201 = tpu.vector_load_idx %arg5[%parallel_loop3A_200] : memref<100000xf32, #tpu.memory_space<vmem>>[vector<16xi32>], vector<16xf32>,
      %parallel_loop3A_202 = arith.index_cast %parallel_loop3A_36 : i32 to index
      %parallel_loop3A_203 = arith.constant 368 : index
      %parallel_loop3A_204 = tpu.vector_load %arg8[%parallel_loop3A_202, %parallel_loop3A_203] {strides = array<i32>} : memref<8x512xf32, #tpu.memory_space<vmem>>, vector<16xf32>,
      tpu.vector_store %arg8[%parallel_loop3A_202, %parallel_loop3A_203], %parallel_loop3A_201 {strides = array<i32>} : memref<8x512xf32, #tpu.memory_space<vmem>>, vector<16xf32>,
      %parallel_loop3A_205 = arith.index_cast %parallel_loop3A_36 : i32 to index
      %parallel_loop3A_206 = arith.constant 384 : index
      %parallel_loop3A_207 = tpu.vector_load %arg6[%parallel_loop3A_205, %parallel_loop3A_206] {strides = array<i32>} : memref<8x512xi32, #tpu.memory_space<vmem>>, vector<16xi32>,
      %parallel_loop3A_208 = tpu.vector_load_idx %arg5[%parallel_loop3A_207] : memref<100000xf32, #tpu.memory_space<vmem>>[vector<16xi32>], vector<16xf32>,
      %parallel_loop3A_209 = arith.index_cast %parallel_loop3A_36 : i32 to index
      %parallel_loop3A_210 = arith.constant 384 : index
      %parallel_loop3A_211 = tpu.vector_load %arg8[%parallel_loop3A_209, %parallel_loop3A_210] {strides = array<i32>} : memref<8x512xf32, #tpu.memory_space<vmem>>, vector<16xf32>,
      tpu.vector_store %arg8[%parallel_loop3A_209, %parallel_loop3A_210], %parallel_loop3A_208 {strides = array<i32>} : memref<8x512xf32, #tpu.memory_space<vmem>>, vector<16xf32>,
      %parallel_loop3A_212 = arith.index_cast %parallel_loop3A_36 : i32 to index
      %parallel_loop3A_213 = arith.constant 400 : index
      %parallel_loop3A_214 = tpu.vector_load %arg6[%parallel_loop3A_212, %parallel_loop3A_213] {strides = array<i32>} : memref<8x512xi32, #tpu.memory_space<vmem>>, vector<16xi32>,
      %parallel_loop3A_215 = tpu.vector_load_idx %arg5[%parallel_loop3A_214] : memref<100000xf32, #tpu.memory_space<vmem>>[vector<16xi32>], vector<16xf32>,
      %parallel_loop3A_216 = arith.index_cast %parallel_loop3A_36 : i32 to index
      %parallel_loop3A_217 = arith.constant 400 : index
      %parallel_loop3A_218 = tpu.vector_load %arg8[%parallel_loop3A_216, %parallel_loop3A_217] {strides = array<i32>} : memref<8x512xf32, #tpu.memory_space<vmem>>, vector<16xf32>,
      tpu.vector_store %arg8[%parallel_loop3A_216, %parallel_loop3A_217], %parallel_loop3A_215 {strides = array<i32>} : memref<8x512xf32, #tpu.memory_space<vmem>>, vector<16xf32>,
      %parallel_loop3A_219 = arith.index_cast %parallel_loop3A_36 : i32 to index
      %parallel_loop3A_220 = arith.constant 416 : index
      %parallel_loop3A_221 = tpu.vector_load %arg6[%parallel_loop3A_219, %parallel_loop3A_220] {strides = array<i32>} : memref<8x512xi32, #tpu.memory_space<vmem>>, vector<16xi32>,
      %parallel_loop3A_222 = tpu.vector_load_idx %arg5[%parallel_loop3A_221] : memref<100000xf32, #tpu.memory_space<vmem>>[vector<16xi32>], vector<16xf32>,
      %parallel_loop3A_223 = arith.index_cast %parallel_loop3A_36 : i32 to index
      %parallel_loop3A_224 = arith.constant 416 : index
      %parallel_loop3A_225 = tpu.vector_load %arg8[%parallel_loop3A_223, %parallel_loop3A_224] {strides = array<i32>} : memref<8x512xf32, #tpu.memory_space<vmem>>, vector<16xf32>,
      tpu.vector_store %arg8[%parallel_loop3A_223, %parallel_loop3A_224], %parallel_loop3A_222 {strides = array<i32>} : memref<8x512xf32, #tpu.memory_space<vmem>>, vector<16xf32>,
      %parallel_loop3A_226 = arith.index_cast %parallel_loop3A_36 : i32 to index
      %parallel_loop3A_227 = arith.constant 432 : index
      %parallel_loop3A_228 = tpu.vector_load %arg6[%parallel_loop3A_226, %parallel_loop3A_227] {strides = array<i32>} : memref<8x512xi32, #tpu.memory_space<vmem>>, vector<16xi32>,
      %parallel_loop3A_229 = tpu.vector_load_idx %arg5[%parallel_loop3A_228] : memref<100000xf32, #tpu.memory_space<vmem>>[vector<16xi32>], vector<16xf32>,
      %parallel_loop3A_230 = arith.index_cast %parallel_loop3A_36 : i32 to index
      %parallel_loop3A_231 = arith.constant 432 : index
      %parallel_loop3A_232 = tpu.vector_load %arg8[%parallel_loop3A_230, %parallel_loop3A_231] {strides = array<i32>} : memref<8x512xf32, #tpu.memory_space<vmem>>, vector<16xf32>,
      tpu.vector_store %arg8[%parallel_loop3A_230, %parallel_loop3A_231], %parallel_loop3A_229 {strides = array<i32>} : memref<8x512xf32, #tpu.memory_space<vmem>>, vector<16xf32>,
      %parallel_loop3A_233 = arith.index_cast %parallel_loop3A_36 : i32 to index
      %parallel_loop3A_234 = arith.constant 448 : index
      %parallel_loop3A_235 = tpu.vector_load %arg6[%parallel_loop3A_233, %parallel_loop3A_234] {strides = array<i32>} : memref<8x512xi32, #tpu.memory_space<vmem>>, vector<16xi32>,
      %parallel_loop3A_236 = tpu.vector_load_idx %arg5[%parallel_loop3A_235] : memref<100000xf32, #tpu.memory_space<vmem>>[vector<16xi32>], vector<16xf32>,
      %parallel_loop3A_237 = arith.index_cast %parallel_loop3A_36 : i32 to index
      %parallel_loop3A_238 = arith.constant 448 : index
      %parallel_loop3A_239 = tpu.vector_load %arg8[%parallel_loop3A_237, %parallel_loop3A_238] {strides = array<i32>} : memref<8x512xf32, #tpu.memory_space<vmem>>, vector<16xf32>,
      tpu.vector_store %arg8[%parallel_loop3A_237, %parallel_loop3A_238], %parallel_loop3A_236 {strides = array<i32>} : memref<8x512xf32, #tpu.memory_space<vmem>>, vector<16xf32>,
      %parallel_loop3A_240 = arith.index_cast %parallel_loop3A_36 : i32 to index
      %parallel_loop3A_241 = arith.constant 464 : index
      %parallel_loop3A_242 = tpu.vector_load %arg6[%parallel_loop3A_240, %parallel_loop3A_241] {strides = array<i32>} : memref<8x512xi32, #tpu.memory_space<vmem>>, vector<16xi32>,
      %parallel_loop3A_243 = tpu.vector_load_idx %arg5[%parallel_loop3A_242] : memref<100000xf32, #tpu.memory_space<vmem>>[vector<16xi32>], vector<16xf32>,
      %parallel_loop3A_244 = arith.index_cast %parallel_loop3A_36 : i32 to index
      %parallel_loop3A_245 = arith.constant 464 : index
      %parallel_loop3A_246 = tpu.vector_load %arg8[%parallel_loop3A_244, %parallel_loop3A_245] {strides = array<i32>} : memref<8x512xf32, #tpu.memory_space<vmem>>, vector<16xf32>,
      tpu.vector_store %arg8[%parallel_loop3A_244, %parallel_loop3A_245], %parallel_loop3A_243 {strides = array<i32>} : memref<8x512xf32, #tpu.memory_space<vmem>>, vector<16xf32>,
      %parallel_loop3A_247 = arith.index_cast %parallel_loop3A_36 : i32 to index
      %parallel_loop3A_248 = arith.constant 480 : index
      %parallel_loop3A_249 = tpu.vector_load %arg6[%parallel_loop3A_247, %parallel_loop3A_248] {strides = array<i32>} : memref<8x512xi32, #tpu.memory_space<vmem>>, vector<16xi32>,
      %parallel_loop3A_250 = tpu.vector_load_idx %arg5[%parallel_loop3A_249] : memref<100000xf32, #tpu.memory_space<vmem>>[vector<16xi32>], vector<16xf32>,
      %parallel_loop3A_251 = arith.index_cast %parallel_loop3A_36 : i32 to index
      %parallel_loop3A_252 = arith.constant 480 : index
      %parallel_loop3A_253 = tpu.vector_load %arg8[%parallel_loop3A_251, %parallel_loop3A_252] {strides = array<i32>} : memref<8x512xf32, #tpu.memory_space<vmem>>, vector<16xf32>,
      tpu.vector_store %arg8[%parallel_loop3A_251, %parallel_loop3A_252], %parallel_loop3A_250 {strides = array<i32>} : memref<8x512xf32, #tpu.memory_space<vmem>>, vector<16xf32>,
      %parallel_loop3A_254 = arith.index_cast %parallel_loop3A_36 : i32 to index
      %parallel_loop3A_255 = arith.constant 496 : index
      %parallel_loop3A_256 = tpu.vector_load %arg6[%parallel_loop3A_254, %parallel_loop3A_255] {strides = array<i32>} : memref<8x512xi32, #tpu.memory_space<vmem>>, vector<16xi32>,
      %parallel_loop3A_257 = tpu.vector_load_idx %arg5[%parallel_loop3A_256] : memref<100000xf32, #tpu.memory_space<vmem>>[vector<16xi32>], vector<16xf32>,
      %parallel_loop3A_258 = arith.index_cast %parallel_loop3A_36 : i32 to index
      %parallel_loop3A_259 = arith.constant 496 : index
      %parallel_loop3A_260 = tpu.vector_load %arg8[%parallel_loop3A_258, %parallel_loop3A_259] {strides = array<i32>} : memref<8x512xf32, #tpu.memory_space<vmem>>, vector<16xf32>,
      tpu.vector_store %arg8[%parallel_loop3A_258, %parallel_loop3A_259], %parallel_loop3A_257 {strides = array<i32>} : memref<8x512xf32, #tpu.memory_space<vmem>>, vector<16xf32>,
    } {sc.loop_unroll_factor = 4 : i64, sc.parallel_access}
    %dma_start3A_24 = arith.constant 192 : i32
    %dma_start3A_25 = tpu.memref_slice %arg4[%dma_start3A_24, %mul3A_2] : memref<200x16384xf32, #tpu.memory_space<hbm>> -> memref<8x512xf32, #tpu.memory_space<hbm>>
    %dma_start3A_26 = arith.constant 192 : i32
    %dma_start3A_27 = tpu.memref_slice %arg4[%dma_start3A_26, %mul3A_2] : memref<200x16384xf32, #tpu.memory_space<hbm>> -> memref<8x512xf32, #tpu.memory_space<hbm>>
    tpu.enqueue_dma source(%arg8 : memref<8x512xf32, #tpu.memory_space<vmem>>) target(%dma_start3A_27 : memref<8x512xf32, #tpu.memory_space<hbm>>) target_semaphore(%arg13 : memref<!tpu.dma_semaphore, #tpu.memory_space<semaphore_mem>>)
    %dma_wait3A_28 = arith.constant 184 : i32
    %dma_wait3A_29 = tpu.memref_slice %arg4[%dma_wait3A_28, %mul3A_2] : memref<200x16384xf32, #tpu.memory_space<hbm>> -> memref<8x512xf32, #tpu.memory_space<hbm>>
    %dma_wait3A_30 = arith.constant 184 : i32
    %dma_wait3A_31 = tpu.memref_slice %arg4[%dma_wait3A_30, %mul3A_2] : memref<200x16384xf32, #tpu.memory_space<hbm>> -> memref<8x512xf32, #tpu.memory_space<hbm>>
    tpu.wait_dma2 semaphore(%arg14 : memref<!tpu.dma_semaphore, #tpu.memory_space<semaphore_mem>>) src(%arg9 : memref<8x512xf32, #tpu.memory_space<vmem>>) dst(%dma_wait3A_31 : memref<8x512xf32, #tpu.memory_space<hbm>>)
    %dma_wait3A_32 = arith.constant 192 : i32
    %dma_wait3A_33 = tpu.memref_slice %arg4[%dma_wait3A_32, %mul3A_2] : memref<200x16384xf32, #tpu.memory_space<hbm>> -> memref<8x512xf32, #tpu.memory_space<hbm>>
    %dma_wait3A_34 = arith.constant 192 : i32
    %dma_wait3A_35 = tpu.memref_slice %arg4[%dma_wait3A_34, %mul3A_2] : memref<200x16384xf32, #tpu.memory_space<hbm>> -> memref<8x512xf32, #tpu.memory_space<hbm>>
    tpu.wait_dma2 semaphore(%arg13 : memref<!tpu.dma_semaphore, #tpu.memory_space<semaphore_mem>>) src(%arg8 : memref<8x512xf32, #tpu.memory_space<vmem>>) dst(%dma_wait3A_35 : memref<8x512xf32, #tpu.memory_space<hbm>>)
    return
  }
}

</mosaic_0001>

<sc_bundles>
// kernel: _lookup.3.cloned.1.call-start
scs
__scs_entry_jumppad:
0x0: {  	(pc) =	sbr.rel $0x88, $3  }
0x1: {  	(tag) =	ssettag $0x0;
	lr =	simm.s32 $0x1  }
0x2: {  	[smem:$0x3F9F] =	sst lr;
	_ =	strace $0xD0000000  }
0x3: {  	_ = 	snop  }
0x4: {  	_ = 	snop  }
0x5: {  	_ = 	snop  }
0x6: {  	_ = 	snop  }
0x7: {  	_ = 	snop  }
__scs_overlays_trampoline_lowered:
0x8: {  	[smem:$0x3FAE] =	sst s0  }
0x9: {  	[smem:$0x3FAF] =	sst s1  }
0xa: {  	[smem:$0x3FB0] =	sst s2  }
0xb: {  	[smem:$0x3FB1] =	sst s3  }
0xc: {  	[smem:$0x3FB2] =	sst s4  }
0xd: {  	[smem:$0x3FB3] =	sst s5  }
0xe: {  	[smem:$0x3FB4] =	sst s6  }
0xf: {  	[smem:$0x3FB5] =	sst s7  }
0x10: {  	[smem:$0x3FB6] =	sst s8  }
0x11: {  	[smem:$0x3FB7] =	sst s9;
	s0 =	simm.s32 @!p0 $0x0  }
0x12: {  	s1 =	sld [smem:$0x3F9D];
	s0 =	simm.s32 @p0 $0x1  }
0x13: {  	[smem:$0x3FB8] =	sst s0;
	s0 =	simm.s32 @!p1 $0x0  }
0x14: {  	s2 =	sld [smem:$0x3F9C];
	s0 =	simm.s32 @p1 $0x1  }
0x15: {  	[smem:$0x3FB9] =	sst s0;
	s0 =	simm.s32 @!p2 $0x0  }
0x16: {  	s3 =	sld [smem:$0x3FDB];
	s0 =	simm.s32 @p2 $0x1  }
0x17: {  	s4 =	simm.s32 $0x1BF5;
	[smem:$0x3FBB] =	sst s0  }
0x18: {  	s0 =	sld [smem:$0x3F9E];
	_ =	swait.ge [sflag:s4], $0x0  }
0x19: {  	s7 =	sld [smem:$0x3F9F]  }
0x1a: {  	s8 =	sadd.s32 $0xFFFFE003, lr  }
0x1b: {  	s9 =	sadd.s32 $0xFFFFFEF7, lr;
	s5 =	simm.s32 $0xFFFFFFFF;
	p2 =	slt.u32 s8, $0xFFFFF086  }
0x1c: {  	p1 =	slt.u32 s9, $0xF7A;
	s5 =	simm.s32 @!p2 $0x0  }
0x1d: {  	s5 =	simm.s32 @p1 $0x1;
	p0 =	seq.s32 s7, s2  }
0x1e: {  	s7 =	smul.u32 @!p0 $0xF7A, s2;
	p2 =	seq.s32 @!p0 s5, $0x0  }
0x1f: {  	s9 =	smul.u32 $0xF7A, s1;
	s8 =	simm.s32 @!p0 $0x1BF5;
	p2 =	por !p2, p0  }
0x20: {  	[sflag:s8] =	ssyncset.s32 @!p0 $0xFFFFF086;
	s6 =	sadd.s32 @!p0 s3, s7;
	s7 =	simm.s32 @!p0 $0x108  }
0x21: {  	s3 =	sadd.s32 s3, s9;
	s6 =	sadd.s32 @!p0 $0x88, s6;
	s7 =	simm.s32 @p2 $0x1082  }
0x22: {  	[simem:s7], [sflag:s8] =	dma.local @!p0 [hbm:s6], $0xF7A  }
0x23: {  	s9 =	sor.u32 $0xD0000000, s2;
	s6 =	simm.s32 $0x108;
	_ =	swait.ge @!p0 [sflag:s8], $0x0  }
0x24: {  	s3 =	sadd.s32 $0x88, s3;
	s6 =	simm.s32 @!p1 $0x1082;
	[sflag:s4] =	ssyncset.s32 $0xFFFFF086  }
0x25: {  	[simem:s6], [sflag:s4] =	dma.local [hbm:s3], $0xF7A  }
0x26: {  	[smem:$0x3F9F] =	sst s1;
	(tag) =	ssettag s2;
	_ =	strace s9  }
0x27: {  	s1 =	sld [smem:$0x3FAF]  }
0x28: {  	s2 =	sld [smem:$0x3FB0]  }
0x29: {  	s4 =	sld [smem:$0x3FB2]  }
0x2a: {  	p0 =	seq.s32 s5, $0x0;
	s5 =	sld [smem:$0x3FB3]  }
0x2b: {  	s6 =	sld [smem:$0x3FB4]  }
0x2c: {  	s7 =	sld [smem:$0x3FB5]  }
0x2d: {  	s3 =	simm.s32 $0x108;
	s8 =	sld [smem:$0x3FB6]  }
0x2e: {  	s3 =	simm.s32 @!p0 $0x1082;
	s9 =	sld [smem:$0x3FB7]  }
0x2f: {  	lr =	sadd.s32 s0, s3;
	s0 =	sld [smem:$0x3FAE]  }
0x30: {  	s3 =	sld [smem:$0x3FB1]  }
0x31: {  	[smem:$0x3FBA] =	sst s10  }
0x32: {  	s10 =	sld [smem:$0x3FB8];
	_ =	sdelay $0x3  }
0x33: {  	p0 =	seq.s32 s10, $0x1;
	s10 =	sld [smem:$0x3FBA];
	_ =	sdelay $0x3  }
0x34: {  	[smem:$0x3FBA] =	sst s10  }
0x35: {  	s10 =	sld [smem:$0x3FB9];
	_ =	sdelay $0x3  }
0x36: {  	p1 =	seq.s32 s10, $0x1;
	s10 =	sld [smem:$0x3FBA];
	_ =	sdelay $0x3  }
0x37: {  	[smem:$0x3FBA] =	sst s10  }
0x38: {  	s10 =	sld [smem:$0x3FBB]  }
0x39: {  	_ = 	snop;
	(pc) =	sbr.ind lr, $3  }
0x3a: {  	_ = 	snop  }
0x3b: {  	_ = 	snop  }
0x3c: {  	p2 =	seq.s32 s10, $0x1;
	s10 =	sld [smem:$0x3FBA]  }
0x3d: {  	_ =	shalt  }
0x3e: {  	_ =	shalt  }
0x3f: {  	_ =	shalt  }
0x40: {  	_ =	shalt  }
0x41: {  	_ =	shalt  }
0x42: {  	_ =	shalt  }
0x43: {  	_ =	shalt  }
0x44: {  	_ =	shalt  }
0x45: {  	_ =	shalt  }
0x46: {  	_ =	shalt  }
0x47: {  	_ =	shalt  }
0x48: {  	_ =	shalt  }
0x49: {  	_ =	shalt  }
0x4a: {  	_ =	shalt  }
0x4b: {  	_ =	shalt  }
0x4c: {  	_ =	shalt  }
0x4d: {  	_ =	shalt  }
0x4e: {  	_ =	shalt  }
0x4f: {  	_ =	shalt  }
0x50: {  	_ =	shalt  }
0x51: {  	_ =	shalt  }
0x52: {  	_ =	shalt  }
0x53: {  	_ =	shalt  }
0x54: {  	_ =	shalt  }
0x55: {  	_ =	shalt  }
0x56: {  	_ =	shalt  }
0x57: {  	_ =	shalt  }
0x58: {  	_ =	shalt  }
0x59: {  	_ =	shalt  }
0x5a: {  	_ =	shalt  }
0x5b: {  	_ =	shalt  }
0x5c: {  	_ =	shalt  }
0x5d: {  	_ =	shalt  }
0x5e: {  	_ =	shalt  }
0x5f: {  	_ =	shalt  }
0x60: {  	_ =	shalt  }
0x61: {  	_ =	shalt  }
0x62: {  	_ =	shalt  }
0x63: {  	_ =	shalt  }
0x64: {  	_ =	shalt  }
0x65: {  	_ =	shalt  }
0x66: {  	_ =	shalt  }
0x67: {  	_ =	shalt  }
0x68: {  	_ =	shalt  }
0x69: {  	_ =	shalt  }
0x6a: {  	_ =	shalt  }
0x6b: {  	_ =	shalt  }
0x6c: {  	_ =	shalt  }
0x6d: {  	_ =	shalt  }
0x6e: {  	_ =	shalt  }
0x6f: {  	_ =	shalt  }
0x70: {  	_ =	shalt  }
0x71: {  	_ =	shalt  }
0x72: {  	_ =	shalt  }
0x73: {  	_ =	shalt  }
0x74: {  	_ =	shalt  }
0x75: {  	_ =	shalt  }
0x76: {  	_ =	shalt  }
0x77: {  	_ =	shalt  }
0x78: {  	_ =	shalt  }
0x79: {  	_ =	shalt  }
0x7a: {  	_ =	shalt  }
0x7b: {  	_ =	shalt  }
0x7c: {  	_ =	shalt  }
0x7d: {  	_ =	shalt  }
0x7e: {  	_ =	shalt  }
0x7f: {  	_ =	shalt  }
0x80: {  	_ =	shalt  }
0x81: {  	_ =	shalt  }
0x82: {  	_ =	shalt  }
0x83: {  	_ =	shalt  }
0x84: {  	_ =	shalt  }
0x85: {  	_ =	shalt  }
0x86: {  	_ =	shalt  }
0x87: {  	_ =	shalt  }
.Lfunc_end0:
.L_simem_size_0:
called_computation_lowered:
.L_overlay_start_0:
0x88: {  	s2 =	sld [smem:$0x3FD9]  }
0x89: {  	s3 =	sld [smem:$0x3FFE];
	_ =	sdelay $0x1  }
0x8a: {  	s1 =	srdreg.scid  }
0x8b: {  	s0 =	sand.u32 $0x1, s1  }
0x8c: {  	s18 =	sshll.u32 s0, $0xA;
	s2 =	sadd.s32 s3, s2  }
0x8d: {  	s2 =	sadd.s32 s2, s18  }
0x8e: {  	[smem:$0x3FC6] =	sst s2  }
0x8f: {  	_ = 	snop  }
0x90: {  	s2 =	sld [smem:$0x3FC9]  }
0x91: {  	s19 =	sld [smem:$0x3FC8]  }
0x92: {  	s4 =	sld [smem:$0x3FD0];
	(tm) =	ssettm $0x1  }
0x93: {  	s5 =	sld [smem:$0x3FFB];
	_ =	sdelay $0x3  }
0x94: {  	_ =	strace s5  }
0x95: {  	s5 =	sld [smem:$0x3FFC];
	_ =	sdelay $0x3  }
0x96: {  	_ =	strace s5  }
0x97: {  	s5 =	sld [smem:$0x3FFD];
	_ =	sdelay $0x3  }
0x98: {  	_ =	strace s5  }
0x99: {  	_ =	strace $0x8FFFFFFF  }
0x9a: {  	s20 =	sld [smem:$0x3FDB];
	_ =	sdelay $0x1  }
0x9b: {  	s6 =	simm.s32 $_scs_section_size  }
0x9c: {  	s7 =	simm.s32 $_size__tile_overlayer_lowered;
	s8 =	simm.s32 $_tile_overlayer_lowered  }
0x9d: {  	s23 =	simm.s32 $0x1BFF;
	s22 =	sshll.u32 s8, $0x1;
	s5 =	sadd.s32 s6, s20  }
0x9e: {  	s9 =	simm.s32 $0x0;
	s21 =	sshll.u32 s7, $0x1;
	s7 =	sadd.s32 s22, s5  }
0x9f: {  	[timem:s9], [sflag:s23] =	dma.local [hbm:s7], s21  }
0xa0: {  	_ =	swait.ge [sflag:s23], s21  }
0xa1: {  	s6 =	ssub.s32 $0x0, s21;
	[sflag:s23] =	ssyncset.done $0x0  }
0xa2: {  	[sflag:s23] =	ssyncadd.s32 s6;
	_ =	sdelay $0x1  }
0xa3: {  	s24 =	simm.s32 $0x1B8B  }
0xa4: {  	_ =	swait.ge [sflag:s24], $0x1  }
0xa5: {  	[sflag:s24] =	ssyncset.done $0x0  }
0xa6: {  	s25 =	simm.s32 $0x1B8E;
	[sflag:s24] =	ssyncadd.s32 $0xFFFFFFFF  }
0xa7: {  	s26 =	simm.s32 $execute0_lowered;
	[smem:$0x3FD2] =	sst s25  }
0xa8: {  	s6 =	sshll.u32 s26, $0x1;
	_ =	strace $0x80000046;
	[dreg:$0x1] =	wrdreg $0xFFFFFFFF  }
0xa9: {  	s28 =	simm.s32 $_size_execute0_lowered;
	s5 =	sadd.s32 s5, s6;
	[dreg:$0x0] =	wrdreg $0x0  }
0xaa: {  	s6 =	sshll.u32 s28, $0x1;
	[dreg:$0x2] =	wrdreg s5  }
0xab: {  	[dreg:$0x3] =	wrdreg s6  }
0xac: {  	[dreg:$0x4] =	wrdreg $0xC0  }
0xad: {  	_ =	task [dreg:s9], $0x5FFFF  }
0xae: {  	[dreg:$0x1] =	wrdreg $0xFFFFFFFF  }
0xaf: {  	[dreg:$0x0] =	wrdreg $0x60  }
0xb0: {  	[dreg:$0x2] =	wrdreg s2  }
0xb1: {  	[dreg:$0x3] =	wrdreg s19  }
0xb2: {  	[dreg:$0x4] =	wrdreg s4  }
0xb3: {  	[dreg:$0x5] =	wrdreg $0x9  }
0xb4: {  	_ =	task.clear_ibuf [dreg:s9], $0x6FFFF;
	_ =	strace $0x90000046  }
0xb5: {  	s29 =	simm.s32 $0x9;
	_ =	strace $0x80000048  }
0xb6: {  	_ =	swait.ge [sflag:s29], $0x1  }
0xb7: {  	[sflag:s29] =	ssyncadd.s32 $0xFFFFFFFF  }
0xb8: {  	_ =	strace $0x90000048  }
0xb9: {  	_ =	sfence  }
0xba: {  	s30 =	sld [smem:$0x0];
	_ =	sdelay $0x2  }
0xbb: {  	s31 =	sshll.u32 s1, $0xD;
	s1 =	sshrl.u32 s1, $0x2  }
0xbc: {  	s3 =	sand.u32 $0x4000, s31;
	s1 =	sadd.s32 s1, s30  }
0xbd: {  	s0 =	sor.u32 s3, s0;
	s1 =	sshll.u32 s1, $0x11  }
0xbe: {  	s0 =	sor.u32 s1, s0  }
0xbf: {  	s0 =	sadd.s32 $0x8F2B, s0  }
0xc0: {  	[sflag:s0] =	ssyncadd.remote.s32 $0x1  }
0xc1: {  	_ =	sfence.sel $0xFFFF  }
0xc2: {  	[dreg:$0x0] =	wrdreg $0xFFFFFFFF;
	(pc) =	sbr.abs _section_cstart, $3  }
0xc3: {  	[dreg:$0x1] =	wrdreg $0xFFFFFFFF  }
0xc4: {  	_ =	task.clear_ibuf [dreg:s9], $0x2FFFF;
	_ =	strace $0x9FFFFFFF  }
0xc5: {  	(tm) =	ssettm $0x7FFFFFFF  }
tec
execute0_lowered:
.L_overlay_start_1:
0x0: {  	(tag) =	ssettag $0x1  }
0x1: {  	s1 =	rddreg [dreg:$0x0]  }
0x2: {  	s2 =	srdreg.scid;
	s3 =	rddreg [dreg:$0x1]  }
0x3: {  	s0 =	stileid.u32;
	s4 =	rddreg [dreg:$0x2]  }
0x4: {  	s5 =	simm.s32 $0x0;
	s14 =	simm.s32 $0x18700;
	s15 =	simm.s32 $0x19700  }
0x5: {  	s16 =	simm.s32 $0x1;
	s17 =	simm.s32 $0x2;
	s18 =	simm.s32 $0x1A700  }
0x6: {  	s19 =	simm.s32 $0x3;
	s20 =	simm.s32 $0x1B700;
	s21 =	simm.s32 $0x4  }
0x7: {  	s22 =	simm.s32 $0x5;
	s7 =	sand.u32 $0x1, s2;
	s2 =	rddreg [dreg:$0x3]  }
0x8: {  	s23 =	simm.s32 $0x0;
	s6 =	sshll.u32 s0, $0xD;
	[smem:$0x7FF] =	sst s5  }
0x9: {  	s11 =	sadd.s32 $0x4000, s4;
	s8 =	sshll.u32 s7, $0xC;
	s31 =	ssub.s32 $0x2, s7  }
0xa: {  	_ =	strace $0x80000047;
	s6 =	sor.u32 s8, s6;
	s9 =	sshrl.u32 s31, $0x1  }
0xb: {  	s12 =	sshrl.u32 s6, $0x3;
	s13 =	ssub.s32 s31, s9;
	s9 =	sor.u32 $0x40000, s6  }
0xc: {  	s10 =	sor.u32 $0x60000, s6;
	s7 =	sadd.s32 s1, s12;
	s12 =	sadd.s32 s12, s4  }
0xd: {  	s13 =	smax.u32 s13, $0x1;
	s8 =	sadd.s32 $0x4000, s7;
	s12 =	sadd.s32 $0x60000, s12  }
.LBB2_1:
0xe: {  	[tilespmem:s14], [sflag:$0x2] =	stream.linear.gather [hbm4b:s7+s5], $0x1000, $0x38;
	[tilespmem:$0x1C700] =	vst v63  }
0xf: {  	_ = 	snop  }
0x10: {  	[tilespmem:s15], [sflag:$0x3] =	stream.linear.gather [hbm4b:s8+s5], $0x1000, $0x38;
	[tilespmem:$0x1C700] =	vst v63  }
0x11: {  	_ = 	snop  }
0x12: {  	[tilespmem:s5], [sflag:$0x1] =	stream.linear.gather [hbm4b:s3+s5], $0x18700, $0x38;
	[tilespmem:$0x1C700] =	vst v63  }
0x13: {  	_ =	swait.ge [sflag:s16], $0x18700  }
0x14: {  	[sflag:s16] =	ssyncset.done $0x0  }
0x15: {  	s24 =	simm.s32 $0x0;
	[sflag:s16] =	ssyncadd.s32 $0xFFFE7900  }
.LBB2_2:
0x16: {  	_ =	swait.ge [sflag:s17], $0x1000  }
0x17: {  	p0 =	seq.s32 s24, $0x0;
	[sflag:s17] =	ssyncset.done $0x0  }
0x18: {  	s26 =	simm.s32 @!p0 $0x4;
	[sflag:s17] =	ssyncadd.s32 $0xFFFFF000  }
0x19: {  	_ =	swait.ge @!p0 [sflag:s26], $0x1000  }
0x1a: {  	s25 =	sshll.u32 s24, $0x12;
	[sflag:s26] =	ssyncset.done @!p0 $0x0  }
0x1b: {  	p1 =	por $0x1, $0x1;
	[sflag:s26] =	ssyncadd.s32 @!p0 $0xFFFFF000;
	s26 =	simm.s32 $0x0  }
.LBB2_3:
0x1c: {  	v0 =	vld [tilespmem:s26+$0x18700]  }
0x1d: {  	v1 =	vld [tilespmem:s26+$0x18780]  }
0x1e: {  	v2 =	vld [tilespmem:s26+$0x18800]  }
0x1f: {  	v3 =	vld [tilespmem:s26+$0x18880]  }
0x20: {  	v56 =	vld [tilespmem:s26+$0x18710]  }
0x21: {  	v57 =	vld [tilespmem:s26+$0x18790]  }
0x22: {  	v58 =	vld [tilespmem:s26+$0x18810]  }
0x23: {  	v59 =	vld [tilespmem:s26+$0x18890]  }
0x24: {  	v60 =	vld [tilespmem:s26+$0x18720]  }
0x25: {  	v61 =	vld [tilespmem:s26+$0x187A0]  }
0x26: {  	v62 =	vld [tilespmem:s26+$0x18820]  }
0x27: {  	v63 =	vld [tilespmem:s26+$0x188A0]  }
0x28: {  	v6 =	vld [tilespmem:s26+$0x18730]  }
0x29: {  	v7 =	vld [tilespmem:s26+$0x187B0]  }
0x2a: {  	v8 =	vld [tilespmem:s26+$0x18830]  }
0x2b: {  	v9 =	vld [tilespmem:s26+$0x188B0]  }
0x2c: {  	v10 =	vld [tilespmem:s26+$0x18740]  }
0x2d: {  	v11 =	vld [tilespmem:s26+$0x187C0]  }
0x2e: {  	v12 =	vld [tilespmem:s26+$0x18840]  }
0x2f: {  	v13 =	vld [tilespmem:s26+$0x188C0]  }
0x30: {  	v14 =	vld [tilespmem:s26+$0x18750]  }
0x31: {  	v15 =	vld [tilespmem:s26+$0x187D0]  }
0x32: {  	v16 =	vld [tilespmem:s26+$0x18850]  }
0x33: {  	v17 =	vld [tilespmem:s26+$0x188D0]  }
0x34: {  	v18 =	vld [tilespmem:s26+$0x18760]  }
0x35: {  	v19 =	vld [tilespmem:s26+$0x187E0]  }
0x36: {  	v20 =	vld [tilespmem:s26+$0x18860]  }
0x37: {  	v21 =	vld [tilespmem:s26+$0x188E0]  }
0x38: {  	v22 =	vld [tilespmem:s26+$0x18770]  }
0x39: {  	v23 =	vld [tilespmem:s26+$0x187F0]  }
0x3a: {  	v24 =	vld [tilespmem:s26+$0x18870]  }
0x3b: {  	v25 =	vld [tilespmem:s26+$0x188F0]  }
0x3c: {  	v26 =	vld [tilespmem:s26+$0x18B00]  }
0x3d: {  	v27 =	vld [tilespmem:s26+$0x18B80]  }
0x3e: {  	v28 =	vld [tilespmem:s26+$0x18C00]  }
0x3f: {  	v29 =	vld [tilespmem:s26+$0x18C80]  }
0x40: {  	v30 =	vld [tilespmem:s26+$0x18B10]  }
0x41: {  	v31 =	vld [tilespmem:s26+$0x18B90]  }
0x42: {  	v32 =	vld [tilespmem:s26+$0x18C10]  }
0x43: {  	v33 =	vld [tilespmem:s26+$0x18C90]  }
0x44: {  	v34 =	vld [tilespmem:s26+$0x18B20]  }
0x45: {  	v35 =	vld [tilespmem:s26+$0x18BA0]  }
0x46: {  	v36 =	vld [tilespmem:s26+$0x18C20]  }
0x47: {  	v37 =	vld [tilespmem:s26+$0x18CA0]  }
0x48: {  	v38 =	vld [tilespmem:s26+$0x18B30]  }
0x49: {  	v39 =	vld [tilespmem:s26+$0x18BB0]  }
0x4a: {  	v40 =	vld [tilespmem:s26+$0x18C30]  }
0x4b: {  	v41 =	vld [tilespmem:s26+$0x18CB0]  }
0x4c: {  	v42 =	vld [tilespmem:s26+$0x18B40]  }
0x4d: {  	v43 =	vld [tilespmem:s26+$0x18BC0]  }
0x4e: {  	v44 =	vld [tilespmem:s26+$0x18C40]  }
0x4f: {  	v45 =	vld [tilespmem:s26+$0x18CC0]  }
0x50: {  	v46 =	vld [tilespmem:s26+$0x18B50]  }
0x51: {  	v47 =	vld [tilespmem:s26+$0x18BD0]  }
0x52: {  	v48 =	vld [tilespmem:s26+$0x18C50]  }
0x53: {  	v49 =	vld [tilespmem:s26+$0x18CD0]  }
0x54: {  	v50 =	vld [tilespmem:s26+$0x18B60]  }
0x55: {  	v51 =	vld [tilespmem:s26+$0x18BE0]  }
0x56: {  	v52 =	vld [tilespmem:s26+$0x18C60]  }
0x57: {  	v53 =	vld [tilespmem:s26+$0x18CE0]  }
0x58: {  	v0 =	vld.idx.msk [tilespmem:v0+s5+$0x0], $0xffff  }
0x59: {  	v1 =	vld.idx.msk [tilespmem:v1+s5+$0x0], $0xffff  }
0x5a: {  	v2 =	vld.idx.msk [tilespmem:v2+s5+$0x0], $0xffff  }
0x5b: {  	v3 =	vld.idx.msk [tilespmem:v3+s5+$0x0], $0xffff  }
0x5c: {  	v54 =	vld [tilespmem:s26+$0x18B70]  }
0x5d: {  	v55 =	vld [tilespmem:s26+$0x18BF0];
	[tilespmem:s26+$0x1A700] =	vst v0  }
0x5e: {  	[tilespmem:s26+$0x1A780] =	vst v1;
	v0 =	vld.idx.msk [tilespmem:v56+s5+$0x0], $0xffff  }
0x5f: {  	[tilespmem:s26+$0x1A800] =	vst v2;
	v1 =	vld.idx.msk [tilespmem:v57+s5+$0x0], $0xffff  }
0x60: {  	[tilespmem:s26+$0x1A880] =	vst v3;
	v2 =	vld.idx.msk [tilespmem:v58+s5+$0x0], $0xffff  }
0x61: {  	v3 =	vld.idx.msk [tilespmem:v59+s5+$0x0], $0xffff  }
0x62: {  	v56 =	vld [tilespmem:s26+$0x18C70]  }
0x63: {  	v57 =	vld [tilespmem:s26+$0x18CF0]  }
0x64: {  	v58 =	vld [tilespmem:s26+$0x18F00]  }
0x65: {  	v59 =	vld [tilespmem:s26+$0x18F80];
	[tilespmem:s26+$0x1A710] =	vst v0  }
0x66: {  	[tilespmem:s26+$0x1A790] =	vst v1;
	v0 =	vld.idx.msk [tilespmem:v60+s5+$0x0], $0xffff  }
0x67: {  	[tilespmem:s26+$0x1A810] =	vst v2;
	v1 =	vld.idx.msk [tilespmem:v61+s5+$0x0], $0xffff  }
0x68: {  	[tilespmem:s26+$0x1A890] =	vst v3;
	v2 =	vld.idx.msk [tilespmem:v62+s5+$0x0], $0xffff  }
0x69: {  	v3 =	vld.idx.msk [tilespmem:v63+s5+$0x0], $0xffff  }
0x6a: {  	v60 =	vld [tilespmem:s26+$0x19000]  }
0x6b: {  	v61 =	vld [tilespmem:s26+$0x19080]  }
0x6c: {  	v62 =	vld [tilespmem:s26+$0x18F10]  }
0x6d: {  	v63 =	vld [tilespmem:s26+$0x18F90];
	[tilespmem:s26+$0x1A720] =	vst v0  }
0x6e: {  	[tilespmem:s26+$0x1A7A0] =	vst v1;
	v0 =	vld.idx.msk [tilespmem:v6+s5+$0x0], $0xffff  }
0x6f: {  	[tilespmem:s26+$0x1A820] =	vst v2;
	v1 =	vld.idx.msk [tilespmem:v7+s5+$0x0], $0xffff  }
0x70: {  	[tilespmem:s26+$0x1A8A0] =	vst v3;
	v2 =	vld.idx.msk [tilespmem:v8+s5+$0x0], $0xffff  }
0x71: {  	v3 =	vld.idx.msk [tilespmem:v9+s5+$0x0], $0xffff  }
0x72: {  	v6 =	vld [tilespmem:s26+$0x19010]  }
0x73: {  	v7 =	vld [tilespmem:s26+$0x19090]  }
0x74: {  	v8 =	vld [tilespmem:s26+$0x18F20]  }
0x75: {  	v9 =	vld [tilespmem:s26+$0x18FA0];
	[tilespmem:s26+$0x1A730] =	vst v0  }
0x76: {  	[tilespmem:s26+$0x1A7B0] =	vst v1;
	v0 =	vld.idx.msk [tilespmem:v10+s5+$0x0], $0xffff  }
0x77: {  	[tilespmem:s26+$0x1A830] =	vst v2;
	v1 =	vld.idx.msk [tilespmem:v11+s5+$0x0], $0xffff  }
0x78: {  	[tilespmem:s26+$0x1A8B0] =	vst v3;
	v2 =	vld.idx.msk [tilespmem:v12+s5+$0x0], $0xffff  }
0x79: {  	v3 =	vld.idx.msk [tilespmem:v13+s5+$0x0], $0xffff  }
0x7a: {  	v10 =	vld [tilespmem:s26+$0x19020]  }
0x7b: {  	v11 =	vld [tilespmem:s26+$0x190A0]  }
0x7c: {  	v12 =	vld [tilespmem:s26+$0x18F30]  }
0x7d: {  	v13 =	vld [tilespmem:s26+$0x18FB0];
	[tilespmem:s26+$0x1A740] =	vst v0  }
0x7e: {  	[tilespmem:s26+$0x1A7C0] =	vst v1;
	v0 =	vld.idx.msk [tilespmem:v14+s5+$0x0], $0xffff  }
0x7f: {  	[tilespmem:s26+$0x1A840] =	vst v2;
	v1 =	vld.idx.msk [tilespmem:v15+s5+$0x0], $0xffff  }
0x80: {  	[tilespmem:s26+$0x1A8C0] =	vst v3;
	v2 =	vld.idx.msk [tilespmem:v16+s5+$0x0], $0xffff  }
0x81: {  	v3 =	vld.idx.msk [tilespmem:v17+s5+$0x0], $0xffff  }
0x82: {  	v14 =	vld [tilespmem:s26+$0x19030]  }
0x83: {  	v15 =	vld [tilespmem:s26+$0x190B0];
	[tilespmem:s26+$0x1A750] =	vst v0  }
0x84: {  	[tilespmem:s26+$0x1A7D0] =	vst v1;
	v0 =	vld.idx.msk [tilespmem:v18+s5+$0x0], $0xffff  }
0x85: {  	[tilespmem:s26+$0x1A850] =	vst v2;
	v1 =	vld.idx.msk [tilespmem:v19+s5+$0x0], $0xffff  }
0x86: {  	[tilespmem:s26+$0x1A8D0] =	vst v3;
	v2 =	vld.idx.msk [tilespmem:v20+s5+$0x0], $0xffff  }
0x87: {  	v3 =	vld.idx.msk [tilespmem:v21+s5+$0x0], $0xffff  }
0x88: {  	v16 =	vld [tilespmem:s26+$0x18F40]  }
0x89: {  	v17 =	vld [tilespmem:s26+$0x18FC0];
	[tilespmem:s26+$0x1A760] =	vst v0  }
0x8a: {  	[tilespmem:s26+$0x1A7E0] =	vst v1;
	v0 =	vld.idx.msk [tilespmem:v22+s5+$0x0], $0xffff  }
0x8b: {  	[tilespmem:s26+$0x1A860] =	vst v2;
	v1 =	vld.idx.msk [tilespmem:v23+s5+$0x0], $0xffff  }
0x8c: {  	[tilespmem:s26+$0x1A8E0] =	vst v3;
	v2 =	vld.idx.msk [tilespmem:v24+s5+$0x0], $0xffff  }
0x8d: {  	v3 =	vld.idx.msk [tilespmem:v25+s5+$0x0], $0xffff  }
0x8e: {  	v18 =	vld [tilespmem:s26+$0x19040]  }
0x8f: {  	v19 =	vld [tilespmem:s26+$0x190C0];
	[tilespmem:s26+$0x1A770] =	vst v0  }
0x90: {  	[tilespmem:s26+$0x1A7F0] =	vst v1;
	v0 =	vld.idx.msk [tilespmem:v26+s5+$0x0], $0xffff  }
0x91: {  	[tilespmem:s26+$0x1A870] =	vst v2;
	v1 =	vld.idx.msk [tilespmem:v27+s5+$0x0], $0xffff  }
0x92: {  	[tilespmem:s26+$0x1A8F0] =	vst v3;
	v2 =	vld.idx.msk [tilespmem:v28+s5+$0x0], $0xffff  }
0x93: {  	v3 =	vld.idx.msk [tilespmem:v29+s5+$0x0], $0xffff  }
0x94: {  	v20 =	vld [tilespmem:s26+$0x18F50]  }
0x95: {  	v21 =	vld [tilespmem:s26+$0x18FD0];
	[tilespmem:s26+$0x1AB00] =	vst v0  }
0x96: {  	[tilespmem:s26+$0x1AB80] =	vst v1;
	v0 =	vld.idx.msk [tilespmem:v30+s5+$0x0], $0xffff  }
0x97: {  	[tilespmem:s26+$0x1AC00] =	vst v2;
	v1 =	vld.idx.msk [tilespmem:v31+s5+$0x0], $0xffff  }
0x98: {  	[tilespmem:s26+$0x1AC80] =	vst v3;
	v2 =	vld.idx.msk [tilespmem:v32+s5+$0x0], $0xffff  }
0x99: {  	v3 =	vld.idx.msk [tilespmem:v33+s5+$0x0], $0xffff  }
0x9a: {  	v22 =	vld [tilespmem:s26+$0x19050]  }
0x9b: {  	v23 =	vld [tilespmem:s26+$0x190D0];
	[tilespmem:s26+$0x1AB10] =	vst v0  }
0x9c: {  	[tilespmem:s26+$0x1AB90] =	vst v1;
	v0 =	vld.idx.msk [tilespmem:v34+s5+$0x0], $0xffff  }
0x9d: {  	[tilespmem:s26+$0x1AC10] =	vst v2;
	v1 =	vld.idx.msk [tilespmem:v35+s5+$0x0], $0xffff  }
0x9e: {  	[tilespmem:s26+$0x1AC90] =	vst v3;
	v2 =	vld.idx.msk [tilespmem:v36+s5+$0x0], $0xffff  }
0x9f: {  	v3 =	vld.idx.msk [tilespmem:v37+s5+$0x0], $0xffff  }
0xa0: {  	v24 =	vld [tilespmem:s26+$0x18F60]  }
0xa1: {  	v25 =	vld [tilespmem:s26+$0x18FE0];
	[tilespmem:s26+$0x1AB20] =	vst v0  }
0xa2: {  	[tilespmem:s26+$0x1ABA0] =	vst v1;
	v0 =	vld.idx.msk [tilespmem:v38+s5+$0x0], $0xffff  }
0xa3: {  	[tilespmem:s26+$0x1AC20] =	vst v2;
	v1 =	vld.idx.msk [tilespmem:v39+s5+$0x0], $0xffff  }
0xa4: {  	[tilespmem:s26+$0x1ACA0] =	vst v3;
	v2 =	vld.idx.msk [tilespmem:v40+s5+$0x0], $0xffff  }
0xa5: {  	v3 =	vld.idx.msk [tilespmem:v41+s5+$0x0], $0xffff  }
0xa6: {  	v26 =	vld [tilespmem:s26+$0x19060]  }
0xa7: {  	v27 =	vld [tilespmem:s26+$0x190E0];
	[tilespmem:s26+$0x1AB30] =	vst v0  }
0xa8: {  	[tilespmem:s26+$0x1ABB0] =	vst v1;
	v0 =	vld.idx.msk [tilespmem:v42+s5+$0x0], $0xffff  }
0xa9: {  	[tilespmem:s26+$0x1AC30] =	vst v2;
	v1 =	vld.idx.msk [tilespmem:v43+s5+$0x0], $0xffff  }
0xaa: {  	[tilespmem:s26+$0x1ACB0] =	vst v3;
	v2 =	vld.idx.msk [tilespmem:v44+s5+$0x0], $0xffff  }
0xab: {  	v3 =	vld.idx.msk [tilespmem:v45+s5+$0x0], $0xffff  }
0xac: {  	v28 =	vld [tilespmem:s26+$0x18F70]  }
0xad: {  	v29 =	vld [tilespmem:s26+$0x18FF0];
	[tilespmem:s26+$0x1AB40] =	vst v0  }
0xae: {  	[tilespmem:s26+$0x1ABC0] =	vst v1;
	v0 =	vld.idx.msk [tilespmem:v46+s5+$0x0], $0xffff  }
0xaf: {  	[tilespmem:s26+$0x1AC40] =	vst v2;
	v1 =	vld.idx.msk [tilespmem:v47+s5+$0x0], $0xffff  }
0xb0: {  	[tilespmem:s26+$0x1ACC0] =	vst v3;
	v2 =	vld.idx.msk [tilespmem:v48+s5+$0x0], $0xffff  }
0xb1: {  	v3 =	vld.idx.msk [tilespmem:v49+s5+$0x0], $0xffff  }
0xb2: {  	v30 =	vld [tilespmem:s26+$0x19070]  }
0xb3: {  	v31 =	vld [tilespmem:s26+$0x190F0];
	[tilespmem:s26+$0x1AB50] =	vst v0  }
0xb4: {  	[tilespmem:s26+$0x1ABD0] =	vst v1;
	v0 =	vld.idx.msk [tilespmem:v50+s5+$0x0], $0xffff  }
0xb5: {  	[tilespmem:s26+$0x1AC50] =	vst v2;
	v1 =	vld.idx.msk [tilespmem:v51+s5+$0x0], $0xffff  }
0xb6: {  	[tilespmem:s26+$0x1ACD0] =	vst v3;
	v2 =	vld.idx.msk [tilespmem:v52+s5+$0x0], $0xffff  }
0xb7: {  	v3 =	vld.idx.msk [tilespmem:v53+s5+$0x0], $0xffff  }
0xb8: {  	v32 =	vld [tilespmem:s26+$0x19300]  }
0xb9: {  	v33 =	vld [tilespmem:s26+$0x19380];
	[tilespmem:s26+$0x1AB60] =	vst v0  }
0xba: {  	[tilespmem:s26+$0x1ABE0] =	vst v1;
	v0 =	vld.idx.msk [tilespmem:v54+s5+$0x0], $0xffff  }
0xbb: {  	[tilespmem:s26+$0x1AC60] =	vst v2;
	v1 =	vld.idx.msk [tilespmem:v55+s5+$0x0], $0xffff  }
0xbc: {  	[tilespmem:s26+$0x1ACE0] =	vst v3;
	v2 =	vld.idx.msk [tilespmem:v56+s5+$0x0], $0xffff  }
0xbd: {  	v3 =	vld.idx.msk [tilespmem:v57+s5+$0x0], $0xffff  }
0xbe: {  	v34 =	vld [tilespmem:s26+$0x19400]  }
0xbf: {  	v35 =	vld [tilespmem:s26+$0x19480];
	[tilespmem:s26+$0x1AB70] =	vst v0  }
0xc0: {  	[tilespmem:s26+$0x1ABF0] =	vst v1;
	v0 =	vld.idx.msk [tilespmem:v58+s5+$0x0], $0xffff  }
0xc1: {  	[tilespmem:s26+$0x1AC70] =	vst v2;
	v1 =	vld.idx.msk [tilespmem:v59+s5+$0x0], $0xffff  }
0xc2: {  	[tilespmem:s26+$0x1ACF0] =	vst v3;
	v2 =	vld.idx.msk [tilespmem:v60+s5+$0x0], $0xffff  }
0xc3: {  	v3 =	vld.idx.msk [tilespmem:v61+s5+$0x0], $0xffff  }
0xc4: {  	v36 =	vld [tilespmem:s26+$0x19310]  }
0xc5: {  	v37 =	vld [tilespmem:s26+$0x19390];
	[tilespmem:s26+$0x1AF00] =	vst v0  }
0xc6: {  	[tilespmem:s26+$0x1AF80] =	vst v1;
	v0 =	vld.idx.msk [tilespmem:v62+s5+$0x0], $0xffff  }
0xc7: {  	[tilespmem:s26+$0x1B000] =	vst v2;
	v1 =	vld.idx.msk [tilespmem:v63+s5+$0x0], $0xffff  }
0xc8: {  	[tilespmem:s26+$0x1B080] =	vst v3;
	v2 =	vld.idx.msk [tilespmem:v6+s5+$0x0], $0xffff  }
0xc9: {  	v3 =	vld.idx.msk [tilespmem:v7+s5+$0x0], $0xffff  }
0xca: {  	v38 =	vld [tilespmem:s26+$0x19410]  }
0xcb: {  	v39 =	vld [tilespmem:s26+$0x19490];
	[tilespmem:s26+$0x1AF10] =	vst v0  }
0xcc: {  	[tilespmem:s26+$0x1AF90] =	vst v1;
	v0 =	vld.idx.msk [tilespmem:v8+s5+$0x0], $0xffff  }
0xcd: {  	[tilespmem:s26+$0x1B010] =	vst v2;
	v1 =	vld.idx.msk [tilespmem:v9+s5+$0x0], $0xffff  }
0xce: {  	[tilespmem:s26+$0x1B090] =	vst v3;
	v2 =	vld.idx.msk [tilespmem:v10+s5+$0x0], $0xffff  }
0xcf: {  	v3 =	vld.idx.msk [tilespmem:v11+s5+$0x0], $0xffff  }
0xd0: {  	v40 =	vld [tilespmem:s26+$0x19320]  }
0xd1: {  	v41 =	vld [tilespmem:s26+$0x193A0];
	[tilespmem:s26+$0x1AF20] =	vst v0  }
0xd2: {  	[tilespmem:s26+$0x1AFA0] =	vst v1;
	v0 =	vld.idx.msk [tilespmem:v12+s5+$0x0], $0xffff  }
0xd3: {  	[tilespmem:s26+$0x1B020] =	vst v2;
	v1 =	vld.idx.msk [tilespmem:v13+s5+$0x0], $0xffff  }
0xd4: {  	[tilespmem:s26+$0x1B0A0] =	vst v3;
	v2 =	vld.idx.msk [tilespmem:v14+s5+$0x0], $0xffff  }
0xd5: {  	v3 =	vld.idx.msk [tilespmem:v15+s5+$0x0], $0xffff  }
0xd6: {  	v42 =	vld [tilespmem:s26+$0x19420]  }
0xd7: {  	v43 =	vld [tilespmem:s26+$0x194A0];
	[tilespmem:s26+$0x1AF30] =	vst v0  }
0xd8: {  	[tilespmem:s26+$0x1AFB0] =	vst v1;
	v0 =	vld.idx.msk [tilespmem:v16+s5+$0x0], $0xffff  }
0xd9: {  	[tilespmem:s26+$0x1B030] =	vst v2;
	v1 =	vld.idx.msk [tilespmem:v17+s5+$0x0], $0xffff  }
0xda: {  	[tilespmem:s26+$0x1B0B0] =	vst v3;
	v2 =	vld.idx.msk [tilespmem:v18+s5+$0x0], $0xffff  }
0xdb: {  	v3 =	vld.idx.msk [tilespmem:v19+s5+$0x0], $0xffff  }
0xdc: {  	v44 =	vld [tilespmem:s26+$0x19330]  }
0xdd: {  	v45 =	vld [tilespmem:s26+$0x193B0];
	[tilespmem:s26+$0x1AF40] =	vst v0  }
0xde: {  	[tilespmem:s26+$0x1AFC0] =	vst v1;
	v0 =	vld.idx.msk [tilespmem:v20+s5+$0x0], $0xffff  }
0xdf: {  	[tilespmem:s26+$0x1B040] =	vst v2;
	v1 =	vld.idx.msk [tilespmem:v21+s5+$0x0], $0xffff  }
0xe0: {  	[tilespmem:s26+$0x1B0C0] =	vst v3;
	v2 =	vld.idx.msk [tilespmem:v22+s5+$0x0], $0xffff  }
0xe1: {  	v3 =	vld.idx.msk [tilespmem:v23+s5+$0x0], $0xffff  }
0xe2: {  	v46 =	vld [tilespmem:s26+$0x19430]  }
0xe3: {  	v47 =	vld [tilespmem:s26+$0x194B0];
	[tilespmem:s26+$0x1AF50] =	vst v0  }
0xe4: {  	[tilespmem:s26+$0x1AFD0] =	vst v1;
	v0 =	vld.idx.msk [tilespmem:v24+s5+$0x0], $0xffff  }
0xe5: {  	[tilespmem:s26+$0x1B050] =	vst v2;
	v1 =	vld.idx.msk [tilespmem:v25+s5+$0x0], $0xffff  }
0xe6: {  	[tilespmem:s26+$0x1B0D0] =	vst v3;
	v2 =	vld.idx.msk [tilespmem:v26+s5+$0x0], $0xffff  }
0xe7: {  	v3 =	vld.idx.msk [tilespmem:v27+s5+$0x0], $0xffff  }
0xe8: {  	v48 =	vld [tilespmem:s26+$0x19340]  }
0xe9: {  	v49 =	vld [tilespmem:s26+$0x193C0];
	[tilespmem:s26+$0x1AF60] =	vst v0  }
0xea: {  	[tilespmem:s26+$0x1AFE0] =	vst v1;
	v0 =	vld.idx.msk [tilespmem:v28+s5+$0x0], $0xffff  }
0xeb: {  	[tilespmem:s26+$0x1B060] =	vst v2;
	v1 =	vld.idx.msk [tilespmem:v29+s5+$0x0], $0xffff  }
0xec: {  	[tilespmem:s26+$0x1B0E0] =	vst v3;
	v2 =	vld.idx.msk [tilespmem:v30+s5+$0x0], $0xffff  }
0xed: {  	v3 =	vld.idx.msk [tilespmem:v31+s5+$0x0], $0xffff  }
0xee: {  	v50 =	vld [tilespmem:s26+$0x19440]  }
0xef: {  	v51 =	vld [tilespmem:s26+$0x194C0];
	[tilespmem:s26+$0x1AF70] =	vst v0  }
0xf0: {  	[tilespmem:s26+$0x1AFF0] =	vst v1;
	v0 =	vld.idx.msk [tilespmem:v32+s5+$0x0], $0xffff  }
0xf1: {  	[tilespmem:s26+$0x1B070] =	vst v2;
	v1 =	vld.idx.msk [tilespmem:v33+s5+$0x0], $0xffff  }
0xf2: {  	[tilespmem:s26+$0x1B0F0] =	vst v3;
	v2 =	vld.idx.msk [tilespmem:v34+s5+$0x0], $0xffff  }
0xf3: {  	v3 =	vld.idx.msk [tilespmem:v35+s5+$0x0], $0xffff  }
0xf4: {  	v52 =	vld [tilespmem:s26+$0x19350]  }
0xf5: {  	v53 =	vld [tilespmem:s26+$0x193D0];
	[tilespmem:s26+$0x1B300] =	vst v0  }
0xf6: {  	[tilespmem:s26+$0x1B380] =	vst v1;
	v0 =	vld.idx.msk [tilespmem:v36+s5+$0x0], $0xffff  }
0xf7: {  	[tilespmem:s26+$0x1B400] =	vst v2;
	v1 =	vld.idx.msk [tilespmem:v37+s5+$0x0], $0xffff  }
0xf8: {  	[tilespmem:s26+$0x1B480] =	vst v3;
	v2 =	vld.idx.msk [tilespmem:v38+s5+$0x0], $0xffff  }
0xf9: {  	v3 =	vld.idx.msk [tilespmem:v39+s5+$0x0], $0xffff  }
0xfa: {  	v54 =	vld [tilespmem:s26+$0x19450]  }
0xfb: {  	v55 =	vld [tilespmem:s26+$0x194D0];
	[tilespmem:s26+$0x1B310] =	vst v0  }
0xfc: {  	[tilespmem:s26+$0x1B390] =	vst v1;
	v0 =	vld.idx.msk [tilespmem:v40+s5+$0x0], $0xffff  }
0xfd: {  	[tilespmem:s26+$0x1B410] =	vst v2;
	v1 =	vld.idx.msk [tilespmem:v41+s5+$0x0], $0xffff  }
0xfe: {  	[tilespmem:s26+$0x1B490] =	vst v3;
	v2 =	vld.idx.msk [tilespmem:v42+s5+$0x0], $0xffff  }
0xff: {  	v3 =	vld.idx.msk [tilespmem:v43+s5+$0x0], $0xffff  }
0x100: {  	v56 =	vld [tilespmem:s26+$0x19360]  }
0x101: {  	v57 =	vld [tilespmem:s26+$0x193E0];
	[tilespmem:s26+$0x1B320] =	vst v0  }
0x102: {  	[tilespmem:s26+$0x1B3A0] =	vst v1;
	v0 =	vld.idx.msk [tilespmem:v44+s5+$0x0], $0xffff  }
0x103: {  	[tilespmem:s26+$0x1B420] =	vst v2;
	v1 =	vld.idx.msk [tilespmem:v45+s5+$0x0], $0xffff  }
0x104: {  	[tilespmem:s26+$0x1B4A0] =	vst v3;
	v2 =	vld.idx.msk [tilespmem:v46+s5+$0x0], $0xffff  }
0x105: {  	v3 =	vld.idx.msk [tilespmem:v47+s5+$0x0], $0xffff  }
0x106: {  	v58 =	vld [tilespmem:s26+$0x19460]  }
0x107: {  	v59 =	vld [tilespmem:s26+$0x194E0];
	[tilespmem:s26+$0x1B330] =	vst v0  }
0x108: {  	[tilespmem:s26+$0x1B3B0] =	vst v1;
	v0 =	vld.idx.msk [tilespmem:v48+s5+$0x0], $0xffff  }
0x109: {  	[tilespmem:s26+$0x1B430] =	vst v2;
	v1 =	vld.idx.msk [tilespmem:v49+s5+$0x0], $0xffff  }
0x10a: {  	[tilespmem:s26+$0x1B4B0] =	vst v3;
	v2 =	vld.idx.msk [tilespmem:v50+s5+$0x0], $0xffff  }
0x10b: {  	v3 =	vld.idx.msk [tilespmem:v51+s5+$0x0], $0xffff  }
0x10c: {  	v60 =	vld [tilespmem:s26+$0x19370]  }
0x10d: {  	v61 =	vld [tilespmem:s26+$0x193F0];
	[tilespmem:s26+$0x1B340] =	vst v0  }
0x10e: {  	[tilespmem:s26+$0x1B3C0] =	vst v1;
	v0 =	vld.idx.msk [tilespmem:v52+s5+$0x0], $0xffff  }
0x10f: {  	[tilespmem:s26+$0x1B440] =	vst v2;
	v1 =	vld.idx.msk [tilespmem:v53+s5+$0x0], $0xffff  }
0x110: {  	[tilespmem:s26+$0x1B4C0] =	vst v3;
	v2 =	vld.idx.msk [tilespmem:v54+s5+$0x0], $0xffff  }
0x111: {  	v3 =	vld.idx.msk [tilespmem:v55+s5+$0x0], $0xffff  }
0x112: {  	v62 =	vld [tilespmem:s26+$0x19470]  }
0x113: {  	v63 =	vld [tilespmem:s26+$0x194F0];
	[tilespmem:s26+$0x1B350] =	vst v0  }
0x114: {  	[tilespmem:s26+$0x1B3D0] =	vst v1;
	v0 =	vld.idx.msk [tilespmem:v56+s5+$0x0], $0xffff  }
0x115: {  	[tilespmem:s26+$0x1B450] =	vst v2;
	v1 =	vld.idx.msk [tilespmem:v57+s5+$0x0], $0xffff  }
0x116: {  	[tilespmem:s26+$0x1B4D0] =	vst v3;
	v2 =	vld.idx.msk [tilespmem:v58+s5+$0x0], $0xffff  }
0x117: {  	v3 =	vld.idx.msk [tilespmem:v59+s5+$0x0], $0xffff;
	_ =	sdelay $0x1  }
0x118: {  	[tilespmem:s26+$0x1B360] =	vst v0  }
0x119: {  	[tilespmem:s26+$0x1B3E0] =	vst v1;
	v0 =	vld.idx.msk [tilespmem:v60+s5+$0x0], $0xffff  }
0x11a: {  	[tilespmem:s26+$0x1B460] =	vst v2;
	v1 =	vld.idx.msk [tilespmem:v61+s5+$0x0], $0xffff  }
0x11b: {  	[tilespmem:s26+$0x1B4E0] =	vst v3;
	v2 =	vld.idx.msk [tilespmem:v62+s5+$0x0], $0xffff  }
0x11c: {  	p2 =	por p1, p1;
	v3 =	vld.idx.msk [tilespmem:v63+s5+$0x0], $0xffff  }
.Ltmp0:
0x11d: {  	_ = 	snop;
	(pc) =	sbr.rel @p2 .LBB2_3-.Ltmp0, $4  }
0x11e: {  	[tilespmem:s26+$0x1B370] =	vst v0  }
0x11f: {  	[tilespmem:s26+$0x1B3F0] =	vst v1  }
0x120: {  	[tilespmem:s26+$0x1B470] =	vst v2  }
0x121: {  	p1 =	por $0x0, $0x0;
	[tilespmem:s26+$0x1B4F0] =	vst v3;
	s26 =	simm.s32 $0x200  }
0x122: {  	s26 =	sor.u32 s6, s25  }
0x123: {  	s26 =	sshrl.u32 s26, $0x3  }
0x124: {  	s28 =	sadd.s32 s4, s26  }
0x125: {  	[hbm4b:s28+s5] =	stream.linear.scatter [tilespmem:s18], [sflag:$0x4], $0x1000, $0x38;
	[tilespmem:$0x1C700] =	vst v63  }
0x126: {  	s28 =	sadd.s32 s9, s25  }
0x127: {  	s28 =	sshrl.u32 s28, $0x3  }
0x128: {  	s28 =	sadd.s32 s1, s28  }
0x129: {  	[tilespmem:s14], [sflag:$0x2] =	stream.linear.gather [hbm4b:s28+s5], $0x1000, $0x38;
	[tilespmem:$0x1C700] =	vst v63  }
0x12a: {  	_ =	swait.ge [sflag:s19], $0x1000  }
0x12b: {  	[sflag:s19] =	ssyncset.done $0x0  }
0x12c: {  	s28 =	simm.s32 @!p0 $0x5;
	[sflag:s19] =	ssyncadd.s32 $0xFFFFF000  }
0x12d: {  	_ =	swait.ge @!p0 [sflag:s28], $0x1000  }
0x12e: {  	[sflag:s28] =	ssyncset.done @!p0 $0x0  }
0x12f: {  	[sflag:s28] =	ssyncadd.s32 @!p0 $0xFFFFF000;
	s28 =	simm.s32 $0x0;
	p0 =	por $0x1, $0x1  }
.LBB2_5:
0x130: {  	v0 =	vld [tilespmem:s28+$0x19700]  }
0x131: {  	v1 =	vld [tilespmem:s28+$0x19780]  }
0x132: {  	v2 =	vld [tilespmem:s28+$0x19800]  }
0x133: {  	v3 =	vld [tilespmem:s28+$0x19880]  }
0x134: {  	v56 =	vld [tilespmem:s28+$0x19710]  }
0x135: {  	v57 =	vld [tilespmem:s28+$0x19790]  }
0x136: {  	v58 =	vld [tilespmem:s28+$0x19810]  }
0x137: {  	v59 =	vld [tilespmem:s28+$0x19890]  }
0x138: {  	v60 =	vld [tilespmem:s28+$0x19720]  }
0x139: {  	v61 =	vld [tilespmem:s28+$0x197A0]  }
0x13a: {  	v62 =	vld [tilespmem:s28+$0x19820]  }
0x13b: {  	v63 =	vld [tilespmem:s28+$0x198A0]  }
0x13c: {  	v6 =	vld [tilespmem:s28+$0x19730]  }
0x13d: {  	v7 =	vld [tilespmem:s28+$0x197B0]  }
0x13e: {  	v8 =	vld [tilespmem:s28+$0x19830]  }
0x13f: {  	v9 =	vld [tilespmem:s28+$0x198B0]  }
0x140: {  	v10 =	vld [tilespmem:s28+$0x19740]  }
0x141: {  	v11 =	vld [tilespmem:s28+$0x197C0]  }
0x142: {  	v12 =	vld [tilespmem:s28+$0x19840]  }
0x143: {  	v13 =	vld [tilespmem:s28+$0x198C0]  }
0x144: {  	v14 =	vld [tilespmem:s28+$0x19750]  }
0x145: {  	v15 =	vld [tilespmem:s28+$0x197D0]  }
0x146: {  	v16 =	vld [tilespmem:s28+$0x19850]  }
0x147: {  	v17 =	vld [tilespmem:s28+$0x198D0]  }
0x148: {  	v18 =	vld [tilespmem:s28+$0x19760]  }
0x149: {  	v19 =	vld [tilespmem:s28+$0x197E0]  }
0x14a: {  	v20 =	vld [tilespmem:s28+$0x19860]  }
0x14b: {  	v21 =	vld [tilespmem:s28+$0x198E0]  }
0x14c: {  	v22 =	vld [tilespmem:s28+$0x19770]  }
0x14d: {  	v23 =	vld [tilespmem:s28+$0x197F0]  }
0x14e: {  	v24 =	vld [tilespmem:s28+$0x19870]  }
0x14f: {  	v25 =	vld [tilespmem:s28+$0x198F0]  }
0x150: {  	v26 =	vld [tilespmem:s28+$0x19B00]  }
0x151: {  	v27 =	vld [tilespmem:s28+$0x19B80]  }
0x152: {  	v28 =	vld [tilespmem:s28+$0x19C00]  }
0x153: {  	v29 =	vld [tilespmem:s28+$0x19C80]  }
0x154: {  	v30 =	vld [tilespmem:s28+$0x19B10]  }
0x155: {  	v31 =	vld [tilespmem:s28+$0x19B90]  }
0x156: {  	v32 =	vld [tilespmem:s28+$0x19C10]  }
0x157: {  	v33 =	vld [tilespmem:s28+$0x19C90]  }
0x158: {  	v34 =	vld [tilespmem:s28+$0x19B20]  }
0x159: {  	v35 =	vld [tilespmem:s28+$0x19BA0]  }
0x15a: {  	v36 =	vld [tilespmem:s28+$0x19C20]  }
0x15b: {  	v37 =	vld [tilespmem:s28+$0x19CA0]  }
0x15c: {  	v38 =	vld [tilespmem:s28+$0x19B30]  }
0x15d: {  	v39 =	vld [tilespmem:s28+$0x19BB0]  }
0x15e: {  	v40 =	vld [tilespmem:s28+$0x19C30]  }
0x15f: {  	v41 =	vld [tilespmem:s28+$0x19CB0]  }
0x160: {  	v42 =	vld [tilespmem:s28+$0x19B40]  }
0x161: {  	v43 =	vld [tilespmem:s28+$0x19BC0]  }
0x162: {  	v44 =	vld [tilespmem:s28+$0x19C40]  }
0x163: {  	v45 =	vld [tilespmem:s28+$0x19CC0]  }
0x164: {  	v46 =	vld [tilespmem:s28+$0x19B50]  }
0x165: {  	v47 =	vld [tilespmem:s28+$0x19BD0]  }
0x166: {  	v48 =	vld [tilespmem:s28+$0x19C50]  }
0x167: {  	v49 =	vld [tilespmem:s28+$0x19CD0]  }
0x168: {  	v50 =	vld [tilespmem:s28+$0x19B60]  }
0x169: {  	v51 =	vld [tilespmem:s28+$0x19BE0]  }
0x16a: {  	v52 =	vld [tilespmem:s28+$0x19C60]  }
0x16b: {  	v53 =	vld [tilespmem:s28+$0x19CE0]  }
0x16c: {  	v0 =	vld.idx.msk [tilespmem:v0+s5+$0x0], $0xffff  }
0x16d: {  	v1 =	vld.idx.msk [tilespmem:v1+s5+$0x0], $0xffff  }
0x16e: {  	v2 =	vld.idx.msk [tilespmem:v2+s5+$0x0], $0xffff  }
0x16f: {  	v3 =	vld.idx.msk [tilespmem:v3+s5+$0x0], $0xffff  }
0x170: {  	v54 =	vld [tilespmem:s28+$0x19B70]  }
0x171: {  	v55 =	vld [tilespmem:s28+$0x19BF0];
	[tilespmem:s28+$0x1B700] =	vst v0  }
0x172: {  	[tilespmem:s28+$0x1B780] =	vst v1;
	v0 =	vld.idx.msk [tilespmem:v56+s5+$0x0], $0xffff  }
0x173: {  	[tilespmem:s28+$0x1B800] =	vst v2;
	v1 =	vld.idx.msk [tilespmem:v57+s5+$0x0], $0xffff  }
0x174: {  	[tilespmem:s28+$0x1B880] =	vst v3;
	v2 =	vld.idx.msk [tilespmem:v58+s5+$0x0], $0xffff  }
0x175: {  	v3 =	vld.idx.msk [tilespmem:v59+s5+$0x0], $0xffff  }
0x176: {  	v56 =	vld [tilespmem:s28+$0x19C70]  }
0x177: {  	v57 =	vld [tilespmem:s28+$0x19CF0]  }
0x178: {  	v58 =	vld [tilespmem:s28+$0x19F00]  }
0x179: {  	v59 =	vld [tilespmem:s28+$0x19F80];
	[tilespmem:s28+$0x1B710] =	vst v0  }
0x17a: {  	[tilespmem:s28+$0x1B790] =	vst v1;
	v0 =	vld.idx.msk [tilespmem:v60+s5+$0x0], $0xffff  }
0x17b: {  	[tilespmem:s28+$0x1B810] =	vst v2;
	v1 =	vld.idx.msk [tilespmem:v61+s5+$0x0], $0xffff  }
0x17c: {  	[tilespmem:s28+$0x1B890] =	vst v3;
	v2 =	vld.idx.msk [tilespmem:v62+s5+$0x0], $0xffff  }
0x17d: {  	v3 =	vld.idx.msk [tilespmem:v63+s5+$0x0], $0xffff  }
0x17e: {  	v60 =	vld [tilespmem:s28+$0x1A000]  }
0x17f: {  	v61 =	vld [tilespmem:s28+$0x1A080]  }
0x180: {  	v62 =	vld [tilespmem:s28+$0x19F10]  }
0x181: {  	v63 =	vld [tilespmem:s28+$0x19F90];
	[tilespmem:s28+$0x1B720] =	vst v0  }
0x182: {  	[tilespmem:s28+$0x1B7A0] =	vst v1;
	v0 =	vld.idx.msk [tilespmem:v6+s5+$0x0], $0xffff  }
0x183: {  	[tilespmem:s28+$0x1B820] =	vst v2;
	v1 =	vld.idx.msk [tilespmem:v7+s5+$0x0], $0xffff  }
0x184: {  	[tilespmem:s28+$0x1B8A0] =	vst v3;
	v2 =	vld.idx.msk [tilespmem:v8+s5+$0x0], $0xffff  }
0x185: {  	v3 =	vld.idx.msk [tilespmem:v9+s5+$0x0], $0xffff  }
0x186: {  	v6 =	vld [tilespmem:s28+$0x1A010]  }
0x187: {  	v7 =	vld [tilespmem:s28+$0x1A090]  }
0x188: {  	v8 =	vld [tilespmem:s28+$0x19F20]  }
0x189: {  	v9 =	vld [tilespmem:s28+$0x19FA0];
	[tilespmem:s28+$0x1B730] =	vst v0  }
0x18a: {  	[tilespmem:s28+$0x1B7B0] =	vst v1;
	v0 =	vld.idx.msk [tilespmem:v10+s5+$0x0], $0xffff  }
0x18b: {  	[tilespmem:s28+$0x1B830] =	vst v2;
	v1 =	vld.idx.msk [tilespmem:v11+s5+$0x0], $0xffff  }
0x18c: {  	[tilespmem:s28+$0x1B8B0] =	vst v3;
	v2 =	vld.idx.msk [tilespmem:v12+s5+$0x0], $0xffff  }
0x18d: {  	v3 =	vld.idx.msk [tilespmem:v13+s5+$0x0], $0xffff  }
0x18e: {  	v10 =	vld [tilespmem:s28+$0x1A020]  }
0x18f: {  	v11 =	vld [tilespmem:s28+$0x1A0A0]  }
0x190: {  	v12 =	vld [tilespmem:s28+$0x19F30]  }
0x191: {  	v13 =	vld [tilespmem:s28+$0x19FB0];
	[tilespmem:s28+$0x1B740] =	vst v0  }
0x192: {  	[tilespmem:s28+$0x1B7C0] =	vst v1;
	v0 =	vld.idx.msk [tilespmem:v14+s5+$0x0], $0xffff  }
0x193: {  	[tilespmem:s28+$0x1B840] =	vst v2;
	v1 =	vld.idx.msk [tilespmem:v15+s5+$0x0], $0xffff  }
0x194: {  	[tilespmem:s28+$0x1B8C0] =	vst v3;
	v2 =	vld.idx.msk [tilespmem:v16+s5+$0x0], $0xffff  }
0x195: {  	v3 =	vld.idx.msk [tilespmem:v17+s5+$0x0], $0xffff  }
0x196: {  	v14 =	vld [tilespmem:s28+$0x1A030]  }
0x197: {  	v15 =	vld [tilespmem:s28+$0x1A0B0];
	[tilespmem:s28+$0x1B750] =	vst v0  }
0x198: {  	[tilespmem:s28+$0x1B7D0] =	vst v1;
	v0 =	vld.idx.msk [tilespmem:v18+s5+$0x0], $0xffff  }
0x199: {  	[tilespmem:s28+$0x1B850] =	vst v2;
	v1 =	vld.idx.msk [tilespmem:v19+s5+$0x0], $0xffff  }
0x19a: {  	[tilespmem:s28+$0x1B8D0] =	vst v3;
	v2 =	vld.idx.msk [tilespmem:v20+s5+$0x0], $0xffff  }
0x19b: {  	v3 =	vld.idx.msk [tilespmem:v21+s5+$0x0], $0xffff  }
0x19c: {  	v16 =	vld [tilespmem:s28+$0x19F40]  }
0x19d: {  	v17 =	vld [tilespmem:s28+$0x19FC0];
	[tilespmem:s28+$0x1B760] =	vst v0  }
0x19e: {  	[tilespmem:s28+$0x1B7E0] =	vst v1;
	v0 =	vld.idx.msk [tilespmem:v22+s5+$0x0], $0xffff  }
0x19f: {  	[tilespmem:s28+$0x1B860] =	vst v2;
	v1 =	vld.idx.msk [tilespmem:v23+s5+$0x0], $0xffff  }
0x1a0: {  	[tilespmem:s28+$0x1B8E0] =	vst v3;
	v2 =	vld.idx.msk [tilespmem:v24+s5+$0x0], $0xffff  }
0x1a1: {  	v3 =	vld.idx.msk [tilespmem:v25+s5+$0x0], $0xffff  }
0x1a2: {  	v18 =	vld [tilespmem:s28+$0x1A040]  }
0x1a3: {  	v19 =	vld [tilespmem:s28+$0x1A0C0];
	[tilespmem:s28+$0x1B770] =	vst v0  }
0x1a4: {  	[tilespmem:s28+$0x1B7F0] =	vst v1;
	v0 =	vld.idx.msk [tilespmem:v26+s5+$0x0], $0xffff  }
0x1a5: {  	[tilespmem:s28+$0x1B870] =	vst v2;
	v1 =	vld.idx.msk [tilespmem:v27+s5+$0x0], $0xffff  }
0x1a6: {  	[tilespmem:s28+$0x1B8F0] =	vst v3;
	v2 =	vld.idx.msk [tilespmem:v28+s5+$0x0], $0xffff  }
0x1a7: {  	v3 =	vld.idx.msk [tilespmem:v29+s5+$0x0], $0xffff  }
0x1a8: {  	v20 =	vld [tilespmem:s28+$0x19F50]  }
0x1a9: {  	v21 =	vld [tilespmem:s28+$0x19FD0];
	[tilespmem:s28+$0x1BB00] =	vst v0  }
0x1aa: {  	[tilespmem:s28+$0x1BB80] =	vst v1;
	v0 =	vld.idx.msk [tilespmem:v30+s5+$0x0], $0xffff  }
0x1ab: {  	[tilespmem:s28+$0x1BC00] =	vst v2;
	v1 =	vld.idx.msk [tilespmem:v31+s5+$0x0], $0xffff  }
0x1ac: {  	[tilespmem:s28+$0x1BC80] =	vst v3;
	v2 =	vld.idx.msk [tilespmem:v32+s5+$0x0], $0xffff  }
0x1ad: {  	v3 =	vld.idx.msk [tilespmem:v33+s5+$0x0], $0xffff  }
0x1ae: {  	v22 =	vld [tilespmem:s28+$0x1A050]  }
0x1af: {  	v23 =	vld [tilespmem:s28+$0x1A0D0];
	[tilespmem:s28+$0x1BB10] =	vst v0  }
0x1b0: {  	[tilespmem:s28+$0x1BB90] =	vst v1;
	v0 =	vld.idx.msk [tilespmem:v34+s5+$0x0], $0xffff  }
0x1b1: {  	[tilespmem:s28+$0x1BC10] =	vst v2;
	v1 =	vld.idx.msk [tilespmem:v35+s5+$0x0], $0xffff  }
0x1b2: {  	[tilespmem:s28+$0x1BC90] =	vst v3;
	v2 =	vld.idx.msk [tilespmem:v36+s5+$0x0], $0xffff  }
0x1b3: {  	v3 =	vld.idx.msk [tilespmem:v37+s5+$0x0], $0xffff  }
0x1b4: {  	v24 =	vld [tilespmem:s28+$0x19F60]  }
0x1b5: {  	v25 =	vld [tilespmem:s28+$0x19FE0];
	[tilespmem:s28+$0x1BB20] =	vst v0  }
0x1b6: {  	[tilespmem:s28+$0x1BBA0] =	vst v1;
	v0 =	vld.idx.msk [tilespmem:v38+s5+$0x0], $0xffff  }
0x1b7: {  	[tilespmem:s28+$0x1BC20] =	vst v2;
	v1 =	vld.idx.msk [tilespmem:v39+s5+$0x0], $0xffff  }
0x1b8: {  	[tilespmem:s28+$0x1BCA0] =	vst v3;
	v2 =	vld.idx.msk [tilespmem:v40+s5+$0x0], $0xffff  }
0x1b9: {  	v3 =	vld.idx.msk [tilespmem:v41+s5+$0x0], $0xffff  }
0x1ba: {  	v26 =	vld [tilespmem:s28+$0x1A060]  }
0x1bb: {  	v27 =	vld [tilespmem:s28+$0x1A0E0];
	[tilespmem:s28+$0x1BB30] =	vst v0  }
0x1bc: {  	[tilespmem:s28+$0x1BBB0] =	vst v1;
	v0 =	vld.idx.msk [tilespmem:v42+s5+$0x0], $0xffff  }
0x1bd: {  	[tilespmem:s28+$0x1BC30] =	vst v2;
	v1 =	vld.idx.msk [tilespmem:v43+s5+$0x0], $0xffff  }
0x1be: {  	[tilespmem:s28+$0x1BCB0] =	vst v3;
	v2 =	vld.idx.msk [tilespmem:v44+s5+$0x0], $0xffff  }
0x1bf: {  	v3 =	vld.idx.msk [tilespmem:v45+s5+$0x0], $0xffff  }
0x1c0: {  	v28 =	vld [tilespmem:s28+$0x19F70]  }
0x1c1: {  	v29 =	vld [tilespmem:s28+$0x19FF0];
	[tilespmem:s28+$0x1BB40] =	vst v0  }
0x1c2: {  	[tilespmem:s28+$0x1BBC0] =	vst v1;
	v0 =	vld.idx.msk [tilespmem:v46+s5+$0x0], $0xffff  }
0x1c3: {  	[tilespmem:s28+$0x1BC40] =	vst v2;
	v1 =	vld.idx.msk [tilespmem:v47+s5+$0x0], $0xffff  }
0x1c4: {  	[tilespmem:s28+$0x1BCC0] =	vst v3;
	v2 =	vld.idx.msk [tilespmem:v48+s5+$0x0], $0xffff  }
0x1c5: {  	v3 =	vld.idx.msk [tilespmem:v49+s5+$0x0], $0xffff  }
0x1c6: {  	v30 =	vld [tilespmem:s28+$0x1A070]  }
0x1c7: {  	v31 =	vld [tilespmem:s28+$0x1A0F0];
	[tilespmem:s28+$0x1BB50] =	vst v0  }
0x1c8: {  	[tilespmem:s28+$0x1BBD0] =	vst v1;
	v0 =	vld.idx.msk [tilespmem:v50+s5+$0x0], $0xffff  }
0x1c9: {  	[tilespmem:s28+$0x1BC50] =	vst v2;
	v1 =	vld.idx.msk [tilespmem:v51+s5+$0x0], $0xffff  }
0x1ca: {  	[tilespmem:s28+$0x1BCD0] =	vst v3;
	v2 =	vld.idx.msk [tilespmem:v52+s5+$0x0], $0xffff  }
0x1cb: {  	v3 =	vld.idx.msk [tilespmem:v53+s5+$0x0], $0xffff  }
0x1cc: {  	v32 =	vld [tilespmem:s28+$0x1A300]  }
0x1cd: {  	v33 =	vld [tilespmem:s28+$0x1A380];
	[tilespmem:s28+$0x1BB60] =	vst v0  }
0x1ce: {  	[tilespmem:s28+$0x1BBE0] =	vst v1;
	v0 =	vld.idx.msk [tilespmem:v54+s5+$0x0], $0xffff  }
0x1cf: {  	[tilespmem:s28+$0x1BC60] =	vst v2;
	v1 =	vld.idx.msk [tilespmem:v55+s5+$0x0], $0xffff  }
0x1d0: {  	[tilespmem:s28+$0x1BCE0] =	vst v3;
	v2 =	vld.idx.msk [tilespmem:v56+s5+$0x0], $0xffff  }
0x1d1: {  	v3 =	vld.idx.msk [tilespmem:v57+s5+$0x0], $0xffff  }
0x1d2: {  	v34 =	vld [tilespmem:s28+$0x1A400]  }
0x1d3: {  	v35 =	vld [tilespmem:s28+$0x1A480];
	[tilespmem:s28+$0x1BB70] =	vst v0  }
0x1d4: {  	[tilespmem:s28+$0x1BBF0] =	vst v1;
	v0 =	vld.idx.msk [tilespmem:v58+s5+$0x0], $0xffff  }
0x1d5: {  	[tilespmem:s28+$0x1BC70] =	vst v2;
	v1 =	vld.idx.msk [tilespmem:v59+s5+$0x0], $0xffff  }
0x1d6: {  	[tilespmem:s28+$0x1BCF0] =	vst v3;
	v2 =	vld.idx.msk [tilespmem:v60+s5+$0x0], $0xffff  }
0x1d7: {  	v3 =	vld.idx.msk [tilespmem:v61+s5+$0x0], $0xffff  }
0x1d8: {  	v36 =	vld [tilespmem:s28+$0x1A310]  }
0x1d9: {  	v37 =	vld [tilespmem:s28+$0x1A390];
	[tilespmem:s28+$0x1BF00] =	vst v0  }
0x1da: {  	[tilespmem:s28+$0x1BF80] =	vst v1;
	v0 =	vld.idx.msk [tilespmem:v62+s5+$0x0], $0xffff  }
0x1db: {  	[tilespmem:s28+$0x1C000] =	vst v2;
	v1 =	vld.idx.msk [tilespmem:v63+s5+$0x0], $0xffff  }
0x1dc: {  	[tilespmem:s28+$0x1C080] =	vst v3;
	v2 =	vld.idx.msk [tilespmem:v6+s5+$0x0], $0xffff  }
0x1dd: {  	v3 =	vld.idx.msk [tilespmem:v7+s5+$0x0], $0xffff  }
0x1de: {  	v38 =	vld [tilespmem:s28+$0x1A410]  }
0x1df: {  	v39 =	vld [tilespmem:s28+$0x1A490];
	[tilespmem:s28+$0x1BF10] =	vst v0  }
0x1e0: {  	[tilespmem:s28+$0x1BF90] =	vst v1;
	v0 =	vld.idx.msk [tilespmem:v8+s5+$0x0], $0xffff  }
0x1e1: {  	[tilespmem:s28+$0x1C010] =	vst v2;
	v1 =	vld.idx.msk [tilespmem:v9+s5+$0x0], $0xffff  }
0x1e2: {  	[tilespmem:s28+$0x1C090] =	vst v3;
	v2 =	vld.idx.msk [tilespmem:v10+s5+$0x0], $0xffff  }
0x1e3: {  	v3 =	vld.idx.msk [tilespmem:v11+s5+$0x0], $0xffff  }
0x1e4: {  	v40 =	vld [tilespmem:s28+$0x1A320]  }
0x1e5: {  	v41 =	vld [tilespmem:s28+$0x1A3A0];
	[tilespmem:s28+$0x1BF20] =	vst v0  }
0x1e6: {  	[tilespmem:s28+$0x1BFA0] =	vst v1;
	v0 =	vld.idx.msk [tilespmem:v12+s5+$0x0], $0xffff  }
0x1e7: {  	[tilespmem:s28+$0x1C020] =	vst v2;
	v1 =	vld.idx.msk [tilespmem:v13+s5+$0x0], $0xffff  }
0x1e8: {  	[tilespmem:s28+$0x1C0A0] =	vst v3;
	v2 =	vld.idx.msk [tilespmem:v14+s5+$0x0], $0xffff  }
0x1e9: {  	v3 =	vld.idx.msk [tilespmem:v15+s5+$0x0], $0xffff  }
0x1ea: {  	v42 =	vld [tilespmem:s28+$0x1A420]  }
0x1eb: {  	v43 =	vld [tilespmem:s28+$0x1A4A0];
	[tilespmem:s28+$0x1BF30] =	vst v0  }
0x1ec: {  	[tilespmem:s28+$0x1BFB0] =	vst v1;
	v0 =	vld.idx.msk [tilespmem:v16+s5+$0x0], $0xffff  }
0x1ed: {  	[tilespmem:s28+$0x1C030] =	vst v2;
	v1 =	vld.idx.msk [tilespmem:v17+s5+$0x0], $0xffff  }
0x1ee: {  	[tilespmem:s28+$0x1C0B0] =	vst v3;
	v2 =	vld.idx.msk [tilespmem:v18+s5+$0x0], $0xffff  }
0x1ef: {  	v3 =	vld.idx.msk [tilespmem:v19+s5+$0x0], $0xffff  }
0x1f0: {  	v44 =	vld [tilespmem:s28+$0x1A330]  }
0x1f1: {  	v45 =	vld [tilespmem:s28+$0x1A3B0];
	[tilespmem:s28+$0x1BF40] =	vst v0  }
0x1f2: {  	[tilespmem:s28+$0x1BFC0] =	vst v1;
	v0 =	vld.idx.msk [tilespmem:v20+s5+$0x0], $0xffff  }
0x1f3: {  	[tilespmem:s28+$0x1C040] =	vst v2;
	v1 =	vld.idx.msk [tilespmem:v21+s5+$0x0], $0xffff  }
0x1f4: {  	[tilespmem:s28+$0x1C0C0] =	vst v3;
	v2 =	vld.idx.msk [tilespmem:v22+s5+$0x0], $0xffff  }
0x1f5: {  	v3 =	vld.idx.msk [tilespmem:v23+s5+$0x0], $0xffff  }
0x1f6: {  	v46 =	vld [tilespmem:s28+$0x1A430]  }
0x1f7: {  	v47 =	vld [tilespmem:s28+$0x1A4B0];
	[tilespmem:s28+$0x1BF50] =	vst v0  }
0x1f8: {  	[tilespmem:s28+$0x1BFD0] =	vst v1;
	v0 =	vld.idx.msk [tilespmem:v24+s5+$0x0], $0xffff  }
0x1f9: {  	[tilespmem:s28+$0x1C050] =	vst v2;
	v1 =	vld.idx.msk [tilespmem:v25+s5+$0x0], $0xffff  }
0x1fa: {  	[tilespmem:s28+$0x1C0D0] =	vst v3;
	v2 =	vld.idx.msk [tilespmem:v26+s5+$0x0], $0xffff  }
0x1fb: {  	v3 =	vld.idx.msk [tilespmem:v27+s5+$0x0], $0xffff  }
0x1fc: {  	v48 =	vld [tilespmem:s28+$0x1A340]  }
0x1fd: {  	v49 =	vld [tilespmem:s28+$0x1A3C0];
	[tilespmem:s28+$0x1BF60] =	vst v0  }
0x1fe: {  	[tilespmem:s28+$0x1BFE0] =	vst v1;
	v0 =	vld.idx.msk [tilespmem:v28+s5+$0x0], $0xffff  }
0x1ff: {  	[tilespmem:s28+$0x1C060] =	vst v2;
	v1 =	vld.idx.msk [tilespmem:v29+s5+$0x0], $0xffff  }
0x200: {  	[tilespmem:s28+$0x1C0E0] =	vst v3;
	v2 =	vld.idx.msk [tilespmem:v30+s5+$0x0], $0xffff  }
0x201: {  	v3 =	vld.idx.msk [tilespmem:v31+s5+$0x0], $0xffff  }
0x202: {  	v50 =	vld [tilespmem:s28+$0x1A440]  }
0x203: {  	v51 =	vld [tilespmem:s28+$0x1A4C0];
	[tilespmem:s28+$0x1BF70] =	vst v0  }
0x204: {  	[tilespmem:s28+$0x1BFF0] =	vst v1;
	v0 =	vld.idx.msk [tilespmem:v32+s5+$0x0], $0xffff  }
0x205: {  	[tilespmem:s28+$0x1C070] =	vst v2;
	v1 =	vld.idx.msk [tilespmem:v33+s5+$0x0], $0xffff  }
0x206: {  	[tilespmem:s28+$0x1C0F0] =	vst v3;
	v2 =	vld.idx.msk [tilespmem:v34+s5+$0x0], $0xffff  }
0x207: {  	v3 =	vld.idx.msk [tilespmem:v35+s5+$0x0], $0xffff  }
0x208: {  	v52 =	vld [tilespmem:s28+$0x1A350]  }
0x209: {  	v53 =	vld [tilespmem:s28+$0x1A3D0];
	[tilespmem:s28+$0x1C300] =	vst v0  }
0x20a: {  	[tilespmem:s28+$0x1C380] =	vst v1;
	v0 =	vld.idx.msk [tilespmem:v36+s5+$0x0], $0xffff  }
0x20b: {  	[tilespmem:s28+$0x1C400] =	vst v2;
	v1 =	vld.idx.msk [tilespmem:v37+s5+$0x0], $0xffff  }
0x20c: {  	[tilespmem:s28+$0x1C480] =	vst v3;
	v2 =	vld.idx.msk [tilespmem:v38+s5+$0x0], $0xffff  }
0x20d: {  	v3 =	vld.idx.msk [tilespmem:v39+s5+$0x0], $0xffff  }
0x20e: {  	v54 =	vld [tilespmem:s28+$0x1A450]  }
0x20f: {  	v55 =	vld [tilespmem:s28+$0x1A4D0];
	[tilespmem:s28+$0x1C310] =	vst v0  }
0x210: {  	[tilespmem:s28+$0x1C390] =	vst v1;
	v0 =	vld.idx.msk [tilespmem:v40+s5+$0x0], $0xffff  }
0x211: {  	[tilespmem:s28+$0x1C410] =	vst v2;
	v1 =	vld.idx.msk [tilespmem:v41+s5+$0x0], $0xffff  }
0x212: {  	[tilespmem:s28+$0x1C490] =	vst v3;
	v2 =	vld.idx.msk [tilespmem:v42+s5+$0x0], $0xffff  }
0x213: {  	v3 =	vld.idx.msk [tilespmem:v43+s5+$0x0], $0xffff  }
0x214: {  	v56 =	vld [tilespmem:s28+$0x1A360]  }
0x215: {  	v57 =	vld [tilespmem:s28+$0x1A3E0];
	[tilespmem:s28+$0x1C320] =	vst v0  }
0x216: {  	[tilespmem:s28+$0x1C3A0] =	vst v1;
	v0 =	vld.idx.msk [tilespmem:v44+s5+$0x0], $0xffff  }
0x217: {  	[tilespmem:s28+$0x1C420] =	vst v2;
	v1 =	vld.idx.msk [tilespmem:v45+s5+$0x0], $0xffff  }
0x218: {  	[tilespmem:s28+$0x1C4A0] =	vst v3;
	v2 =	vld.idx.msk [tilespmem:v46+s5+$0x0], $0xffff  }
0x219: {  	v3 =	vld.idx.msk [tilespmem:v47+s5+$0x0], $0xffff  }
0x21a: {  	v58 =	vld [tilespmem:s28+$0x1A460]  }
0x21b: {  	v59 =	vld [tilespmem:s28+$0x1A4E0];
	[tilespmem:s28+$0x1C330] =	vst v0  }
0x21c: {  	[tilespmem:s28+$0x1C3B0] =	vst v1;
	v0 =	vld.idx.msk [tilespmem:v48+s5+$0x0], $0xffff  }
0x21d: {  	[tilespmem:s28+$0x1C430] =	vst v2;
	v1 =	vld.idx.msk [tilespmem:v49+s5+$0x0], $0xffff  }
0x21e: {  	[tilespmem:s28+$0x1C4B0] =	vst v3;
	v2 =	vld.idx.msk [tilespmem:v50+s5+$0x0], $0xffff  }
0x21f: {  	v3 =	vld.idx.msk [tilespmem:v51+s5+$0x0], $0xffff  }
0x220: {  	v60 =	vld [tilespmem:s28+$0x1A370]  }
0x221: {  	v61 =	vld [tilespmem:s28+$0x1A3F0];
	[tilespmem:s28+$0x1C340] =	vst v0  }
0x222: {  	[tilespmem:s28+$0x1C3C0] =	vst v1;
	v0 =	vld.idx.msk [tilespmem:v52+s5+$0x0], $0xffff  }
0x223: {  	[tilespmem:s28+$0x1C440] =	vst v2;
	v1 =	vld.idx.msk [tilespmem:v53+s5+$0x0], $0xffff  }
0x224: {  	[tilespmem:s28+$0x1C4C0] =	vst v3;
	v2 =	vld.idx.msk [tilespmem:v54+s5+$0x0], $0xffff  }
0x225: {  	v3 =	vld.idx.msk [tilespmem:v55+s5+$0x0], $0xffff  }
0x226: {  	v62 =	vld [tilespmem:s28+$0x1A470]  }
0x227: {  	v63 =	vld [tilespmem:s28+$0x1A4F0];
	[tilespmem:s28+$0x1C350] =	vst v0  }
0x228: {  	[tilespmem:s28+$0x1C3D0] =	vst v1;
	v0 =	vld.idx.msk [tilespmem:v56+s5+$0x0], $0xffff  }
0x229: {  	[tilespmem:s28+$0x1C450] =	vst v2;
	v1 =	vld.idx.msk [tilespmem:v57+s5+$0x0], $0xffff  }
0x22a: {  	[tilespmem:s28+$0x1C4D0] =	vst v3;
	v2 =	vld.idx.msk [tilespmem:v58+s5+$0x0], $0xffff  }
0x22b: {  	v3 =	vld.idx.msk [tilespmem:v59+s5+$0x0], $0xffff;
	_ =	sdelay $0x1  }
0x22c: {  	[tilespmem:s28+$0x1C360] =	vst v0  }
0x22d: {  	[tilespmem:s28+$0x1C3E0] =	vst v1;
	v0 =	vld.idx.msk [tilespmem:v60+s5+$0x0], $0xffff  }
0x22e: {  	[tilespmem:s28+$0x1C460] =	vst v2;
	v1 =	vld.idx.msk [tilespmem:v61+s5+$0x0], $0xffff  }
0x22f: {  	[tilespmem:s28+$0x1C4E0] =	vst v3;
	v2 =	vld.idx.msk [tilespmem:v62+s5+$0x0], $0xffff  }
0x230: {  	p1 =	por p0, p0;
	v3 =	vld.idx.msk [tilespmem:v63+s5+$0x0], $0xffff  }
.Ltmp1:
0x231: {  	_ = 	snop;
	(pc) =	sbr.rel @p1 .LBB2_5-.Ltmp1, $4  }
0x232: {  	[tilespmem:s28+$0x1C370] =	vst v0  }
0x233: {  	[tilespmem:s28+$0x1C3F0] =	vst v1  }
0x234: {  	[tilespmem:s28+$0x1C470] =	vst v2  }
0x235: {  	p0 =	por $0x0, $0x0;
	[tilespmem:s28+$0x1C4F0] =	vst v3;
	s28 =	simm.s32 $0x200  }
0x236: {  	p0 =	seq.s32 s24, $0xB  }
.Ltmp2:
0x237: {  	_ = 	snop;
	(pc) =	sbr.rel @p0 .LBB2_8-.Ltmp2, $3  }
0x238: {  	_ =	sdelay $0x1  }
0x239: {  	s26 =	sadd.s32 s26, s11  }
0x23a: {  	[hbm4b:s26+s5] =	stream.linear.scatter [tilespmem:s20], [sflag:$0x5], $0x1000, $0x38;
	[tilespmem:$0x1C700] =	vst v63  }
.Ltmp3:
0x23b: {  	(pc) =	sbr.rel .LBB2_2-.Ltmp3, $4  }
0x23c: {  	s25 =	sadd.s32 s10, s25  }
0x23d: {  	s25 =	sshrl.u32 s25, $0x3  }
0x23e: {  	s24 =	sadd.s32 $0x1, s24;
	s25 =	sadd.s32 s1, s25  }
0x23f: {  	[tilespmem:s15], [sflag:$0x3] =	stream.linear.gather [hbm4b:s25+s5], $0x1000, $0x38;
	[tilespmem:$0x1C700] =	vst v63  }
.LBB2_8:
0x240: {  	_ =	swait.ge [sflag:s17], $0x1000  }
0x241: {  	[sflag:s17] =	ssyncset.done $0x0  }
0x242: {  	[sflag:s17] =	ssyncadd.s32 $0xFFFFF000  }
0x243: {  	_ =	swait.ge [sflag:s21], $0x1000  }
0x244: {  	[sflag:s21] =	ssyncset.done $0x0  }
0x245: {  	s24 =	simm.s32 $0x0;
	p0 =	por $0x1, $0x1;
	[sflag:s21] =	ssyncadd.s32 $0xFFFFF000  }
.LBB2_9:
0x246: {  	v0 =	vld [tilespmem:s24+$0x18700]  }
0x247: {  	v1 =	vld [tilespmem:s24+$0x18780]  }
0x248: {  	v2 =	vld [tilespmem:s24+$0x18800]  }
0x249: {  	v3 =	vld [tilespmem:s24+$0x18880]  }
0x24a: {  	v56 =	vld [tilespmem:s24+$0x18710]  }
0x24b: {  	v57 =	vld [tilespmem:s24+$0x18790]  }
0x24c: {  	v58 =	vld [tilespmem:s24+$0x18810]  }
0x24d: {  	v59 =	vld [tilespmem:s24+$0x18890]  }
0x24e: {  	v60 =	vld [tilespmem:s24+$0x18720]  }
0x24f: {  	v61 =	vld [tilespmem:s24+$0x187A0]  }
0x250: {  	v62 =	vld [tilespmem:s24+$0x18820]  }
0x251: {  	v63 =	vld [tilespmem:s24+$0x188A0]  }
0x252: {  	v6 =	vld [tilespmem:s24+$0x18730]  }
0x253: {  	v7 =	vld [tilespmem:s24+$0x187B0]  }
0x254: {  	v8 =	vld [tilespmem:s24+$0x18830]  }
0x255: {  	v9 =	vld [tilespmem:s24+$0x188B0]  }
0x256: {  	v10 =	vld [tilespmem:s24+$0x18740]  }
0x257: {  	v11 =	vld [tilespmem:s24+$0x187C0]  }
0x258: {  	v12 =	vld [tilespmem:s24+$0x18840]  }
0x259: {  	v13 =	vld [tilespmem:s24+$0x188C0]  }
0x25a: {  	v14 =	vld [tilespmem:s24+$0x18750]  }
0x25b: {  	v15 =	vld [tilespmem:s24+$0x187D0]  }
0x25c: {  	v16 =	vld [tilespmem:s24+$0x18850]  }
0x25d: {  	v17 =	vld [tilespmem:s24+$0x188D0]  }
0x25e: {  	v18 =	vld [tilespmem:s24+$0x18760]  }
0x25f: {  	v19 =	vld [tilespmem:s24+$0x187E0]  }
0x260: {  	v20 =	vld [tilespmem:s24+$0x18860]  }
0x261: {  	v21 =	vld [tilespmem:s24+$0x188E0]  }
0x262: {  	v22 =	vld [tilespmem:s24+$0x18770]  }
0x263: {  	v23 =	vld [tilespmem:s24+$0x187F0]  }
0x264: {  	v24 =	vld [tilespmem:s24+$0x18870]  }
0x265: {  	v25 =	vld [tilespmem:s24+$0x188F0]  }
0x266: {  	v26 =	vld [tilespmem:s24+$0x18B00]  }
0x267: {  	v27 =	vld [tilespmem:s24+$0x18B80]  }
0x268: {  	v28 =	vld [tilespmem:s24+$0x18C00]  }
0x269: {  	v29 =	vld [tilespmem:s24+$0x18C80]  }
0x26a: {  	v30 =	vld [tilespmem:s24+$0x18B10]  }
0x26b: {  	v31 =	vld [tilespmem:s24+$0x18B90]  }
0x26c: {  	v32 =	vld [tilespmem:s24+$0x18C10]  }
0x26d: {  	v33 =	vld [tilespmem:s24+$0x18C90]  }
0x26e: {  	v34 =	vld [tilespmem:s24+$0x18B20]  }
0x26f: {  	v35 =	vld [tilespmem:s24+$0x18BA0]  }
0x270: {  	v36 =	vld [tilespmem:s24+$0x18C20]  }
0x271: {  	v37 =	vld [tilespmem:s24+$0x18CA0]  }
0x272: {  	v38 =	vld [tilespmem:s24+$0x18B30]  }
0x273: {  	v39 =	vld [tilespmem:s24+$0x18BB0]  }
0x274: {  	v40 =	vld [tilespmem:s24+$0x18C30]  }
0x275: {  	v41 =	vld [tilespmem:s24+$0x18CB0]  }
0x276: {  	v42 =	vld [tilespmem:s24+$0x18B40]  }
0x277: {  	v43 =	vld [tilespmem:s24+$0x18BC0]  }
0x278: {  	v44 =	vld [tilespmem:s24+$0x18C40]  }
0x279: {  	v45 =	vld [tilespmem:s24+$0x18CC0]  }
0x27a: {  	v46 =	vld [tilespmem:s24+$0x18B50]  }
0x27b: {  	v47 =	vld [tilespmem:s24+$0x18BD0]  }
0x27c: {  	v48 =	vld [tilespmem:s24+$0x18C50]  }
0x27d: {  	v49 =	vld [tilespmem:s24+$0x18CD0]  }
0x27e: {  	v50 =	vld [tilespmem:s24+$0x18B60]  }
0x27f: {  	v51 =	vld [tilespmem:s24+$0x18BE0]  }
0x280: {  	v52 =	vld [tilespmem:s24+$0x18C60]  }
0x281: {  	v53 =	vld [tilespmem:s24+$0x18CE0]  }
0x282: {  	v0 =	vld.idx.msk [tilespmem:v0+s5+$0x0], $0xffff  }
0x283: {  	v1 =	vld.idx.msk [tilespmem:v1+s5+$0x0], $0xffff  }
0x284: {  	v2 =	vld.idx.msk [tilespmem:v2+s5+$0x0], $0xffff  }
0x285: {  	v3 =	vld.idx.msk [tilespmem:v3+s5+$0x0], $0xffff  }
0x286: {  	v54 =	vld [tilespmem:s24+$0x18B70]  }
0x287: {  	v55 =	vld [tilespmem:s24+$0x18BF0];
	[tilespmem:s24+$0x1A700] =	vst v0  }
0x288: {  	[tilespmem:s24+$0x1A780] =	vst v1;
	v0 =	vld.idx.msk [tilespmem:v56+s5+$0x0], $0xffff  }
0x289: {  	[tilespmem:s24+$0x1A800] =	vst v2;
	v1 =	vld.idx.msk [tilespmem:v57+s5+$0x0], $0xffff  }
0x28a: {  	[tilespmem:s24+$0x1A880] =	vst v3;
	v2 =	vld.idx.msk [tilespmem:v58+s5+$0x0], $0xffff  }
0x28b: {  	v3 =	vld.idx.msk [tilespmem:v59+s5+$0x0], $0xffff  }
0x28c: {  	v56 =	vld [tilespmem:s24+$0x18C70]  }
0x28d: {  	v57 =	vld [tilespmem:s24+$0x18CF0]  }
0x28e: {  	v58 =	vld [tilespmem:s24+$0x18F00]  }
0x28f: {  	v59 =	vld [tilespmem:s24+$0x18F80];
	[tilespmem:s24+$0x1A710] =	vst v0  }
0x290: {  	[tilespmem:s24+$0x1A790] =	vst v1;
	v0 =	vld.idx.msk [tilespmem:v60+s5+$0x0], $0xffff  }
0x291: {  	[tilespmem:s24+$0x1A810] =	vst v2;
	v1 =	vld.idx.msk [tilespmem:v61+s5+$0x0], $0xffff  }
0x292: {  	[tilespmem:s24+$0x1A890] =	vst v3;
	v2 =	vld.idx.msk [tilespmem:v62+s5+$0x0], $0xffff  }
0x293: {  	v3 =	vld.idx.msk [tilespmem:v63+s5+$0x0], $0xffff  }
0x294: {  	v60 =	vld [tilespmem:s24+$0x19000]  }
0x295: {  	v61 =	vld [tilespmem:s24+$0x19080]  }
0x296: {  	v62 =	vld [tilespmem:s24+$0x18F10]  }
0x297: {  	v63 =	vld [tilespmem:s24+$0x18F90];
	[tilespmem:s24+$0x1A720] =	vst v0  }
0x298: {  	[tilespmem:s24+$0x1A7A0] =	vst v1;
	v0 =	vld.idx.msk [tilespmem:v6+s5+$0x0], $0xffff  }
0x299: {  	[tilespmem:s24+$0x1A820] =	vst v2;
	v1 =	vld.idx.msk [tilespmem:v7+s5+$0x0], $0xffff  }
0x29a: {  	[tilespmem:s24+$0x1A8A0] =	vst v3;
	v2 =	vld.idx.msk [tilespmem:v8+s5+$0x0], $0xffff  }
0x29b: {  	v3 =	vld.idx.msk [tilespmem:v9+s5+$0x0], $0xffff  }
0x29c: {  	v6 =	vld [tilespmem:s24+$0x19010]  }
0x29d: {  	v7 =	vld [tilespmem:s24+$0x19090]  }
0x29e: {  	v8 =	vld [tilespmem:s24+$0x18F20]  }
0x29f: {  	v9 =	vld [tilespmem:s24+$0x18FA0];
	[tilespmem:s24+$0x1A730] =	vst v0  }
0x2a0: {  	[tilespmem:s24+$0x1A7B0] =	vst v1;
	v0 =	vld.idx.msk [tilespmem:v10+s5+$0x0], $0xffff  }
0x2a1: {  	[tilespmem:s24+$0x1A830] =	vst v2;
	v1 =	vld.idx.msk [tilespmem:v11+s5+$0x0], $0xffff  }
0x2a2: {  	[tilespmem:s24+$0x1A8B0] =	vst v3;
	v2 =	vld.idx.msk [tilespmem:v12+s5+$0x0], $0xffff  }
0x2a3: {  	v3 =	vld.idx.msk [tilespmem:v13+s5+$0x0], $0xffff  }
0x2a4: {  	v10 =	vld [tilespmem:s24+$0x19020]  }
0x2a5: {  	v11 =	vld [tilespmem:s24+$0x190A0]  }
0x2a6: {  	v12 =	vld [tilespmem:s24+$0x18F30]  }
0x2a7: {  	v13 =	vld [tilespmem:s24+$0x18FB0];
	[tilespmem:s24+$0x1A740] =	vst v0  }
0x2a8: {  	[tilespmem:s24+$0x1A7C0] =	vst v1;
	v0 =	vld.idx.msk [tilespmem:v14+s5+$0x0], $0xffff  }
0x2a9: {  	[tilespmem:s24+$0x1A840] =	vst v2;
	v1 =	vld.idx.msk [tilespmem:v15+s5+$0x0], $0xffff  }
0x2aa: {  	[tilespmem:s24+$0x1A8C0] =	vst v3;
	v2 =	vld.idx.msk [tilespmem:v16+s5+$0x0], $0xffff  }
0x2ab: {  	v3 =	vld.idx.msk [tilespmem:v17+s5+$0x0], $0xffff  }
0x2ac: {  	v14 =	vld [tilespmem:s24+$0x19030]  }
0x2ad: {  	v15 =	vld [tilespmem:s24+$0x190B0];
	[tilespmem:s24+$0x1A750] =	vst v0  }
0x2ae: {  	[tilespmem:s24+$0x1A7D0] =	vst v1;
	v0 =	vld.idx.msk [tilespmem:v18+s5+$0x0], $0xffff  }
0x2af: {  	[tilespmem:s24+$0x1A850] =	vst v2;
	v1 =	vld.idx.msk [tilespmem:v19+s5+$0x0], $0xffff  }
0x2b0: {  	[tilespmem:s24+$0x1A8D0] =	vst v3;
	v2 =	vld.idx.msk [tilespmem:v20+s5+$0x0], $0xffff  }
0x2b1: {  	v3 =	vld.idx.msk [tilespmem:v21+s5+$0x0], $0xffff  }
0x2b2: {  	v16 =	vld [tilespmem:s24+$0x18F40]  }
0x2b3: {  	v17 =	vld [tilespmem:s24+$0x18FC0];
	[tilespmem:s24+$0x1A760] =	vst v0  }
0x2b4: {  	[tilespmem:s24+$0x1A7E0] =	vst v1;
	v0 =	vld.idx.msk [tilespmem:v22+s5+$0x0], $0xffff  }
0x2b5: {  	[tilespmem:s24+$0x1A860] =	vst v2;
	v1 =	vld.idx.msk [tilespmem:v23+s5+$0x0], $0xffff  }
0x2b6: {  	[tilespmem:s24+$0x1A8E0] =	vst v3;
	v2 =	vld.idx.msk [tilespmem:v24+s5+$0x0], $0xffff  }
0x2b7: {  	v3 =	vld.idx.msk [tilespmem:v25+s5+$0x0], $0xffff  }
0x2b8: {  	v18 =	vld [tilespmem:s24+$0x19040]  }
0x2b9: {  	v19 =	vld [tilespmem:s24+$0x190C0];
	[tilespmem:s24+$0x1A770] =	vst v0  }
0x2ba: {  	[tilespmem:s24+$0x1A7F0] =	vst v1;
	v0 =	vld.idx.msk [tilespmem:v26+s5+$0x0], $0xffff  }
0x2bb: {  	[tilespmem:s24+$0x1A870] =	vst v2;
	v1 =	vld.idx.msk [tilespmem:v27+s5+$0x0], $0xffff  }
0x2bc: {  	[tilespmem:s24+$0x1A8F0] =	vst v3;
	v2 =	vld.idx.msk [tilespmem:v28+s5+$0x0], $0xffff  }
0x2bd: {  	v3 =	vld.idx.msk [tilespmem:v29+s5+$0x0], $0xffff  }
0x2be: {  	v20 =	vld [tilespmem:s24+$0x18F50]  }
0x2bf: {  	v21 =	vld [tilespmem:s24+$0x18FD0];
	[tilespmem:s24+$0x1AB00] =	vst v0  }
0x2c0: {  	[tilespmem:s24+$0x1AB80] =	vst v1;
	v0 =	vld.idx.msk [tilespmem:v30+s5+$0x0], $0xffff  }
0x2c1: {  	[tilespmem:s24+$0x1AC00] =	vst v2;
	v1 =	vld.idx.msk [tilespmem:v31+s5+$0x0], $0xffff  }
0x2c2: {  	[tilespmem:s24+$0x1AC80] =	vst v3;
	v2 =	vld.idx.msk [tilespmem:v32+s5+$0x0], $0xffff  }
0x2c3: {  	v3 =	vld.idx.msk [tilespmem:v33+s5+$0x0], $0xffff  }
0x2c4: {  	v22 =	vld [tilespmem:s24+$0x19050]  }
0x2c5: {  	v23 =	vld [tilespmem:s24+$0x190D0];
	[tilespmem:s24+$0x1AB10] =	vst v0  }
0x2c6: {  	[tilespmem:s24+$0x1AB90] =	vst v1;
	v0 =	vld.idx.msk [tilespmem:v34+s5+$0x0], $0xffff  }
0x2c7: {  	[tilespmem:s24+$0x1AC10] =	vst v2;
	v1 =	vld.idx.msk [tilespmem:v35+s5+$0x0], $0xffff  }
0x2c8: {  	[tilespmem:s24+$0x1AC90] =	vst v3;
	v2 =	vld.idx.msk [tilespmem:v36+s5+$0x0], $0xffff  }
0x2c9: {  	v3 =	vld.idx.msk [tilespmem:v37+s5+$0x0], $0xffff  }
0x2ca: {  	v24 =	vld [tilespmem:s24+$0x18F60]  }
0x2cb: {  	v25 =	vld [tilespmem:s24+$0x18FE0];
	[tilespmem:s24+$0x1AB20] =	vst v0  }
0x2cc: {  	[tilespmem:s24+$0x1ABA0] =	vst v1;
	v0 =	vld.idx.msk [tilespmem:v38+s5+$0x0], $0xffff  }
0x2cd: {  	[tilespmem:s24+$0x1AC20] =	vst v2;
	v1 =	vld.idx.msk [tilespmem:v39+s5+$0x0], $0xffff  }
0x2ce: {  	[tilespmem:s24+$0x1ACA0] =	vst v3;
	v2 =	vld.idx.msk [tilespmem:v40+s5+$0x0], $0xffff  }
0x2cf: {  	v3 =	vld.idx.msk [tilespmem:v41+s5+$0x0], $0xffff  }
0x2d0: {  	v26 =	vld [tilespmem:s24+$0x19060]  }
0x2d1: {  	v27 =	vld [tilespmem:s24+$0x190E0];
	[tilespmem:s24+$0x1AB30] =	vst v0  }
0x2d2: {  	[tilespmem:s24+$0x1ABB0] =	vst v1;
	v0 =	vld.idx.msk [tilespmem:v42+s5+$0x0], $0xffff  }
0x2d3: {  	[tilespmem:s24+$0x1AC30] =	vst v2;
	v1 =	vld.idx.msk [tilespmem:v43+s5+$0x0], $0xffff  }
0x2d4: {  	[tilespmem:s24+$0x1ACB0] =	vst v3;
	v2 =	vld.idx.msk [tilespmem:v44+s5+$0x0], $0xffff  }
0x2d5: {  	v3 =	vld.idx.msk [tilespmem:v45+s5+$0x0], $0xffff  }
0x2d6: {  	v28 =	vld [tilespmem:s24+$0x18F70]  }
0x2d7: {  	v29 =	vld [tilespmem:s24+$0x18FF0];
	[tilespmem:s24+$0x1AB40] =	vst v0  }
0x2d8: {  	[tilespmem:s24+$0x1ABC0] =	vst v1;
	v0 =	vld.idx.msk [tilespmem:v46+s5+$0x0], $0xffff  }
0x2d9: {  	[tilespmem:s24+$0x1AC40] =	vst v2;
	v1 =	vld.idx.msk [tilespmem:v47+s5+$0x0], $0xffff  }
0x2da: {  	[tilespmem:s24+$0x1ACC0] =	vst v3;
	v2 =	vld.idx.msk [tilespmem:v48+s5+$0x0], $0xffff  }
0x2db: {  	v3 =	vld.idx.msk [tilespmem:v49+s5+$0x0], $0xffff  }
0x2dc: {  	v30 =	vld [tilespmem:s24+$0x19070]  }
0x2dd: {  	v31 =	vld [tilespmem:s24+$0x190F0];
	[tilespmem:s24+$0x1AB50] =	vst v0  }
0x2de: {  	[tilespmem:s24+$0x1ABD0] =	vst v1;
	v0 =	vld.idx.msk [tilespmem:v50+s5+$0x0], $0xffff  }
0x2df: {  	[tilespmem:s24+$0x1AC50] =	vst v2;
	v1 =	vld.idx.msk [tilespmem:v51+s5+$0x0], $0xffff  }
0x2e0: {  	[tilespmem:s24+$0x1ACD0] =	vst v3;
	v2 =	vld.idx.msk [tilespmem:v52+s5+$0x0], $0xffff  }
0x2e1: {  	v3 =	vld.idx.msk [tilespmem:v53+s5+$0x0], $0xffff  }
0x2e2: {  	v32 =	vld [tilespmem:s24+$0x19300]  }
0x2e3: {  	v33 =	vld [tilespmem:s24+$0x19380];
	[tilespmem:s24+$0x1AB60] =	vst v0  }
0x2e4: {  	[tilespmem:s24+$0x1ABE0] =	vst v1;
	v0 =	vld.idx.msk [tilespmem:v54+s5+$0x0], $0xffff  }
0x2e5: {  	[tilespmem:s24+$0x1AC60] =	vst v2;
	v1 =	vld.idx.msk [tilespmem:v55+s5+$0x0], $0xffff  }
0x2e6: {  	[tilespmem:s24+$0x1ACE0] =	vst v3;
	v2 =	vld.idx.msk [tilespmem:v56+s5+$0x0], $0xffff  }
0x2e7: {  	v3 =	vld.idx.msk [tilespmem:v57+s5+$0x0], $0xffff  }
0x2e8: {  	v34 =	vld [tilespmem:s24+$0x19400]  }
0x2e9: {  	v35 =	vld [tilespmem:s24+$0x19480];
	[tilespmem:s24+$0x1AB70] =	vst v0  }
0x2ea: {  	[tilespmem:s24+$0x1ABF0] =	vst v1;
	v0 =	vld.idx.msk [tilespmem:v58+s5+$0x0], $0xffff  }
0x2eb: {  	[tilespmem:s24+$0x1AC70] =	vst v2;
	v1 =	vld.idx.msk [tilespmem:v59+s5+$0x0], $0xffff  }
0x2ec: {  	[tilespmem:s24+$0x1ACF0] =	vst v3;
	v2 =	vld.idx.msk [tilespmem:v60+s5+$0x0], $0xffff  }
0x2ed: {  	v3 =	vld.idx.msk [tilespmem:v61+s5+$0x0], $0xffff  }
0x2ee: {  	v36 =	vld [tilespmem:s24+$0x19310]  }
0x2ef: {  	v37 =	vld [tilespmem:s24+$0x19390];
	[tilespmem:s24+$0x1AF00] =	vst v0  }
0x2f0: {  	[tilespmem:s24+$0x1AF80] =	vst v1;
	v0 =	vld.idx.msk [tilespmem:v62+s5+$0x0], $0xffff  }
0x2f1: {  	[tilespmem:s24+$0x1B000] =	vst v2;
	v1 =	vld.idx.msk [tilespmem:v63+s5+$0x0], $0xffff  }
0x2f2: {  	[tilespmem:s24+$0x1B080] =	vst v3;
	v2 =	vld.idx.msk [tilespmem:v6+s5+$0x0], $0xffff  }
0x2f3: {  	v3 =	vld.idx.msk [tilespmem:v7+s5+$0x0], $0xffff  }
0x2f4: {  	v38 =	vld [tilespmem:s24+$0x19410]  }
0x2f5: {  	v39 =	vld [tilespmem:s24+$0x19490];
	[tilespmem:s24+$0x1AF10] =	vst v0  }
0x2f6: {  	[tilespmem:s24+$0x1AF90] =	vst v1;
	v0 =	vld.idx.msk [tilespmem:v8+s5+$0x0], $0xffff  }
0x2f7: {  	[tilespmem:s24+$0x1B010] =	vst v2;
	v1 =	vld.idx.msk [tilespmem:v9+s5+$0x0], $0xffff  }
0x2f8: {  	[tilespmem:s24+$0x1B090] =	vst v3;
	v2 =	vld.idx.msk [tilespmem:v10+s5+$0x0], $0xffff  }
0x2f9: {  	v3 =	vld.idx.msk [tilespmem:v11+s5+$0x0], $0xffff  }
0x2fa: {  	v40 =	vld [tilespmem:s24+$0x19320]  }
0x2fb: {  	v41 =	vld [tilespmem:s24+$0x193A0];
	[tilespmem:s24+$0x1AF20] =	vst v0  }
0x2fc: {  	[tilespmem:s24+$0x1AFA0] =	vst v1;
	v0 =	vld.idx.msk [tilespmem:v12+s5+$0x0], $0xffff  }
0x2fd: {  	[tilespmem:s24+$0x1B020] =	vst v2;
	v1 =	vld.idx.msk [tilespmem:v13+s5+$0x0], $0xffff  }
0x2fe: {  	[tilespmem:s24+$0x1B0A0] =	vst v3;
	v2 =	vld.idx.msk [tilespmem:v14+s5+$0x0], $0xffff  }
0x2ff: {  	v3 =	vld.idx.msk [tilespmem:v15+s5+$0x0], $0xffff  }
0x300: {  	v42 =	vld [tilespmem:s24+$0x19420]  }
0x301: {  	v43 =	vld [tilespmem:s24+$0x194A0];
	[tilespmem:s24+$0x1AF30] =	vst v0  }
0x302: {  	[tilespmem:s24+$0x1AFB0] =	vst v1;
	v0 =	vld.idx.msk [tilespmem:v16+s5+$0x0], $0xffff  }
0x303: {  	[tilespmem:s24+$0x1B030] =	vst v2;
	v1 =	vld.idx.msk [tilespmem:v17+s5+$0x0], $0xffff  }
0x304: {  	[tilespmem:s24+$0x1B0B0] =	vst v3;
	v2 =	vld.idx.msk [tilespmem:v18+s5+$0x0], $0xffff  }
0x305: {  	v3 =	vld.idx.msk [tilespmem:v19+s5+$0x0], $0xffff  }
0x306: {  	v44 =	vld [tilespmem:s24+$0x19330]  }
0x307: {  	v45 =	vld [tilespmem:s24+$0x193B0];
	[tilespmem:s24+$0x1AF40] =	vst v0  }
0x308: {  	[tilespmem:s24+$0x1AFC0] =	vst v1;
	v0 =	vld.idx.msk [tilespmem:v20+s5+$0x0], $0xffff  }
0x309: {  	[tilespmem:s24+$0x1B040] =	vst v2;
	v1 =	vld.idx.msk [tilespmem:v21+s5+$0x0], $0xffff  }
0x30a: {  	[tilespmem:s24+$0x1B0C0] =	vst v3;
	v2 =	vld.idx.msk [tilespmem:v22+s5+$0x0], $0xffff  }
0x30b: {  	v3 =	vld.idx.msk [tilespmem:v23+s5+$0x0], $0xffff  }
0x30c: {  	v46 =	vld [tilespmem:s24+$0x19430]  }
0x30d: {  	v47 =	vld [tilespmem:s24+$0x194B0];
	[tilespmem:s24+$0x1AF50] =	vst v0  }
0x30e: {  	[tilespmem:s24+$0x1AFD0] =	vst v1;
	v0 =	vld.idx.msk [tilespmem:v24+s5+$0x0], $0xffff  }
0x30f: {  	[tilespmem:s24+$0x1B050] =	vst v2;
	v1 =	vld.idx.msk [tilespmem:v25+s5+$0x0], $0xffff  }
0x310: {  	[tilespmem:s24+$0x1B0D0] =	vst v3;
	v2 =	vld.idx.msk [tilespmem:v26+s5+$0x0], $0xffff  }
0x311: {  	v3 =	vld.idx.msk [tilespmem:v27+s5+$0x0], $0xffff  }
0x312: {  	v48 =	vld [tilespmem:s24+$0x19340]  }
0x313: {  	v49 =	vld [tilespmem:s24+$0x193C0];
	[tilespmem:s24+$0x1AF60] =	vst v0  }
0x314: {  	[tilespmem:s24+$0x1AFE0] =	vst v1;
	v0 =	vld.idx.msk [tilespmem:v28+s5+$0x0], $0xffff  }
0x315: {  	[tilespmem:s24+$0x1B060] =	vst v2;
	v1 =	vld.idx.msk [tilespmem:v29+s5+$0x0], $0xffff  }
0x316: {  	[tilespmem:s24+$0x1B0E0] =	vst v3;
	v2 =	vld.idx.msk [tilespmem:v30+s5+$0x0], $0xffff  }
0x317: {  	v3 =	vld.idx.msk [tilespmem:v31+s5+$0x0], $0xffff  }
0x318: {  	v50 =	vld [tilespmem:s24+$0x19440]  }
0x319: {  	v51 =	vld [tilespmem:s24+$0x194C0];
	[tilespmem:s24+$0x1AF70] =	vst v0  }
0x31a: {  	[tilespmem:s24+$0x1AFF0] =	vst v1;
	v0 =	vld.idx.msk [tilespmem:v32+s5+$0x0], $0xffff  }
0x31b: {  	[tilespmem:s24+$0x1B070] =	vst v2;
	v1 =	vld.idx.msk [tilespmem:v33+s5+$0x0], $0xffff  }
0x31c: {  	[tilespmem:s24+$0x1B0F0] =	vst v3;
	v2 =	vld.idx.msk [tilespmem:v34+s5+$0x0], $0xffff  }
0x31d: {  	v3 =	vld.idx.msk [tilespmem:v35+s5+$0x0], $0xffff  }
0x31e: {  	v52 =	vld [tilespmem:s24+$0x19350]  }
0x31f: {  	v53 =	vld [tilespmem:s24+$0x193D0];
	[tilespmem:s24+$0x1B300] =	vst v0  }
0x320: {  	[tilespmem:s24+$0x1B380] =	vst v1;
	v0 =	vld.idx.msk [tilespmem:v36+s5+$0x0], $0xffff  }
0x321: {  	[tilespmem:s24+$0x1B400] =	vst v2;
	v1 =	vld.idx.msk [tilespmem:v37+s5+$0x0], $0xffff  }
0x322: {  	[tilespmem:s24+$0x1B480] =	vst v3;
	v2 =	vld.idx.msk [tilespmem:v38+s5+$0x0], $0xffff  }
0x323: {  	v3 =	vld.idx.msk [tilespmem:v39+s5+$0x0], $0xffff  }
0x324: {  	v54 =	vld [tilespmem:s24+$0x19450]  }
0x325: {  	v55 =	vld [tilespmem:s24+$0x194D0];
	[tilespmem:s24+$0x1B310] =	vst v0  }
0x326: {  	[tilespmem:s24+$0x1B390] =	vst v1;
	v0 =	vld.idx.msk [tilespmem:v40+s5+$0x0], $0xffff  }
0x327: {  	[tilespmem:s24+$0x1B410] =	vst v2;
	v1 =	vld.idx.msk [tilespmem:v41+s5+$0x0], $0xffff  }
0x328: {  	[tilespmem:s24+$0x1B490] =	vst v3;
	v2 =	vld.idx.msk [tilespmem:v42+s5+$0x0], $0xffff  }
0x329: {  	v3 =	vld.idx.msk [tilespmem:v43+s5+$0x0], $0xffff  }
0x32a: {  	v56 =	vld [tilespmem:s24+$0x19360]  }
0x32b: {  	v57 =	vld [tilespmem:s24+$0x193E0];
	[tilespmem:s24+$0x1B320] =	vst v0  }
0x32c: {  	[tilespmem:s24+$0x1B3A0] =	vst v1;
	v0 =	vld.idx.msk [tilespmem:v44+s5+$0x0], $0xffff  }
0x32d: {  	[tilespmem:s24+$0x1B420] =	vst v2;
	v1 =	vld.idx.msk [tilespmem:v45+s5+$0x0], $0xffff  }
0x32e: {  	[tilespmem:s24+$0x1B4A0] =	vst v3;
	v2 =	vld.idx.msk [tilespmem:v46+s5+$0x0], $0xffff  }
0x32f: {  	v3 =	vld.idx.msk [tilespmem:v47+s5+$0x0], $0xffff  }
0x330: {  	v58 =	vld [tilespmem:s24+$0x19460]  }
0x331: {  	v59 =	vld [tilespmem:s24+$0x194E0];
	[tilespmem:s24+$0x1B330] =	vst v0  }
0x332: {  	[tilespmem:s24+$0x1B3B0] =	vst v1;
	v0 =	vld.idx.msk [tilespmem:v48+s5+$0x0], $0xffff  }
0x333: {  	[tilespmem:s24+$0x1B430] =	vst v2;
	v1 =	vld.idx.msk [tilespmem:v49+s5+$0x0], $0xffff  }
0x334: {  	[tilespmem:s24+$0x1B4B0] =	vst v3;
	v2 =	vld.idx.msk [tilespmem:v50+s5+$0x0], $0xffff  }
0x335: {  	v3 =	vld.idx.msk [tilespmem:v51+s5+$0x0], $0xffff  }
0x336: {  	v60 =	vld [tilespmem:s24+$0x19370]  }
0x337: {  	v61 =	vld [tilespmem:s24+$0x193F0];
	[tilespmem:s24+$0x1B340] =	vst v0  }
0x338: {  	[tilespmem:s24+$0x1B3C0] =	vst v1;
	v0 =	vld.idx.msk [tilespmem:v52+s5+$0x0], $0xffff  }
0x339: {  	[tilespmem:s24+$0x1B440] =	vst v2;
	v1 =	vld.idx.msk [tilespmem:v53+s5+$0x0], $0xffff  }
0x33a: {  	[tilespmem:s24+$0x1B4C0] =	vst v3;
	v2 =	vld.idx.msk [tilespmem:v54+s5+$0x0], $0xffff  }
0x33b: {  	v3 =	vld.idx.msk [tilespmem:v55+s5+$0x0], $0xffff  }
0x33c: {  	v62 =	vld [tilespmem:s24+$0x19470]  }
0x33d: {  	v63 =	vld [tilespmem:s24+$0x194F0];
	[tilespmem:s24+$0x1B350] =	vst v0  }
0x33e: {  	[tilespmem:s24+$0x1B3D0] =	vst v1;
	v0 =	vld.idx.msk [tilespmem:v56+s5+$0x0], $0xffff  }
0x33f: {  	[tilespmem:s24+$0x1B450] =	vst v2;
	v1 =	vld.idx.msk [tilespmem:v57+s5+$0x0], $0xffff  }
0x340: {  	[tilespmem:s24+$0x1B4D0] =	vst v3;
	v2 =	vld.idx.msk [tilespmem:v58+s5+$0x0], $0xffff  }
0x341: {  	v3 =	vld.idx.msk [tilespmem:v59+s5+$0x0], $0xffff;
	_ =	sdelay $0x1  }
0x342: {  	[tilespmem:s24+$0x1B360] =	vst v0  }
0x343: {  	[tilespmem:s24+$0x1B3E0] =	vst v1;
	v0 =	vld.idx.msk [tilespmem:v60+s5+$0x0], $0xffff  }
0x344: {  	[tilespmem:s24+$0x1B460] =	vst v2;
	v1 =	vld.idx.msk [tilespmem:v61+s5+$0x0], $0xffff  }
0x345: {  	[tilespmem:s24+$0x1B4E0] =	vst v3;
	v2 =	vld.idx.msk [tilespmem:v62+s5+$0x0], $0xffff  }
0x346: {  	p1 =	por p0, p0;
	v3 =	vld.idx.msk [tilespmem:v63+s5+$0x0], $0xffff  }
.Ltmp4:
0x347: {  	_ = 	snop;
	(pc) =	sbr.rel @p1 .LBB2_9-.Ltmp4, $4  }
0x348: {  	[tilespmem:s24+$0x1B370] =	vst v0  }
0x349: {  	[tilespmem:s24+$0x1B3F0] =	vst v1  }
0x34a: {  	[tilespmem:s24+$0x1B470] =	vst v2  }
0x34b: {  	p0 =	por $0x0, $0x0;
	[tilespmem:s24+$0x1B4F0] =	vst v3;
	s24 =	simm.s32 $0x200  }
0x34c: {  	[hbm4b:s12+s5] =	stream.linear.scatter [tilespmem:s18], [sflag:$0x4], $0x1000, $0x38;
	[tilespmem:$0x1C700] =	vst v63  }
0x34d: {  	s23 =	sadd.s32 $0x1, s23  }
0x34e: {  	_ =	swait.ge [sflag:s22], $0x1000;
	p0 =	sne.s32 s23, s13  }
.Ltmp5:
0x34f: {  	[sflag:s22] =	ssyncset.done $0x0;
	(pc) =	sbr.rel @p0 .LBB2_1-.Ltmp5, $4  }
0x350: {  	[sflag:s22] =	ssyncadd.s32 $0xFFFFF000  }
0x351: {  	_ =	swait.ge [sflag:s21], $0x1000  }
0x352: {  	[sflag:s21] =	ssyncset.done $0x0  }
0x353: {  	[sflag:s21] =	ssyncadd.s32 $0xFFFFF000  }
0x354: {  	_ =	sfence.sel $0x180000  }
0x355: {  	[bflag:$0x0] =	sbarrier.arrive $0xFFFF  }
0x356: {  	p0 =	sne.s32 s0, $0x0;
	_ =	strace $0x90000047  }
0x357: {  	s0 =	sadd.s32 @!p0 $0x100000, s2;
	[bflag:$0x2] =	sbarrier.arrive $0xFFFF  }
0x358: {  	[sflag:s0] =	ssyncadd.tile.s32 @!p0 $0x1;
	_ =	shalt  }
.Lfunc_end2:
_tile_overlayer_lowered:
.L_overlay_start_2:
0x359: {  	(tag) =	ssettag $0x2  }
0x35a: {  	s0 =	rddreg [dreg:$0x0];
	s2 =	stileid.u32  }
0x35b: {  	s1 =	rddreg [dreg:$0x1];
	p0 =	sne.s32 s2, $0x0  }
0x35c: {  	s3 =	rddreg [dreg:$0x2];
	[bflag:$0x3] =	sbarrier.arrive $0xFFFF;
	s2 =	simm.s32 @!p0 $0x1C06  }
0x35d: {  	[timem:s3], [sflag:s2] =	dma.local @!p0 [hbm:s0], s1  }
0x35e: {  	s0 =	simm.s32 @!p0 $0x6  }
0x35f: {  	_ =	swait.ge @!p0 [sflag:s0], s1  }
0x360: {  	s1 =	ssub.s32 @!p0 $0x0, s1;
	[sflag:s0] =	ssyncset.done @!p0 $0x0  }
0x361: {  	[sflag:s0] =	ssyncadd.s32 @!p0 s1  }
0x362: {  	[bflag:$0x3] =	sbarrier.arrive $0xFFFF  }
0x363: {  	_ =	shalt  }

</sc_bundles>
